<compile_context>
chip_gen: v7x
topology: tpu7x:2x2x1
jax: 0.10.2.dev20260603
libtpu: 0.0.44.dev20260713+nightly
codegen_flags: <defaults>
</compile_context>

<pallas_src>
import jax
import jax.numpy as jnp
from jax import lax
from jax.experimental import pallas as pl
from jax.experimental.pallas import tpu as pltpu
from jax.experimental.pallas import tpu_sc as plsc

_N = 10000
_E = 160000
_D = 256
_H = 128
_NC = 2
_NS = 16
_K = 128
_EPAD = 163840
_B1 = _EPAD // (_NC * _NS) // _K
_B3 = _EPAD // _NS // _K
_DUMMY = _N
_VP = 10112
_RT = _VP // _NS
_DP = 10240
_DT = _DP // _NS

_MESH = plsc.VectorSubcoreMesh(
    core_axis_name="c", subcore_axis_name="s", num_cores=_NC, num_subcores=_NS
)


def _deg_body(dst_hbm, deg_hbm, idx_v, ones_v, zero_v, deg_sp):
    c = lax.axis_index("c")
    s = lax.axis_index("s")
    wid = c * _NS + s

    def _z(i, carry):
        zero_v[pl.ds(i * 16, 16)] = jnp.zeros((16,), jnp.float32)
        return carry

    lax.fori_loop(0, _DT // 16, _z, None)

    def _o(i, carry):
        ones_v[pl.ds(i * 16, 16)] = jnp.ones((16,), jnp.float32)
        return carry

    lax.fori_loop(0, _K // 16, _o, None)

    pltpu.sync_copy(zero_v, deg_sp.at[pl.ds(s * _DT, _DT)])
    pltpu.sync_copy(dst_hbm.at[wid], idx_v)
    plsc.subcore_barrier()

    def _acc(b, carry):
        pltpu.sync_copy(ones_v, deg_sp.at[idx_v.at[b]], add=True)
        return carry

    lax.fori_loop(0, _B1, _acc, None)

    plsc.subcore_barrier()
    pltpu.sync_copy(deg_sp.at[pl.ds(s * _DT, _DT)], deg_hbm.at[wid])


_deg_call = pl.kernel(
    _deg_body,
    out_type=jax.ShapeDtypeStruct((_NC * _NS, _DT), jnp.float32),
    mesh=_MESH,
    scratch_types=[
        pltpu.VMEM((_B1, _K), jnp.int32),
        pltpu.VMEM((_K,), jnp.float32),
        pltpu.VMEM((_DT,), jnp.float32),
        pltpu.VMEM_SHARED((_DP,), jnp.float32),
    ],
)


def _scale_body(x_ref, w_ref, d0_ref, d1_ref, g_ref, s_ref, dinv_ref):
    h = jnp.dot(x_ref[...], w_ref[...], preferred_element_type=jnp.float32)
    deg = d0_ref[...] + d1_ref[...] + 1.0
    dinv = lax.rsqrt(deg)
    g = h * dinv
    g_ref[...] = g
    s_ref[...] = g * dinv
    dinv_ref[...] = dinv


def _scale(x, W, d0, d1):
    rows = _N // 10
    return pl.pallas_call(
        _scale_body,
        grid=(10,),
        in_specs=[
            pl.BlockSpec((rows, _D), lambda i: (i, 0)),
            pl.BlockSpec((_D, _D), lambda i: (0, 0)),
            pl.BlockSpec((rows, 1), lambda i: (i, 0)),
            pl.BlockSpec((rows, 1), lambda i: (i, 0)),
        ],
        out_specs=[
            pl.BlockSpec((rows, _D), lambda i: (i, 0)),
            pl.BlockSpec((rows, _D), lambda i: (i, 0)),
            pl.BlockSpec((rows, 1), lambda i: (i, 0)),
        ],
        out_shape=[
            jax.ShapeDtypeStruct((_N, _D), jnp.float32),
            jax.ShapeDtypeStruct((_N, _D), jnp.float32),
            jax.ShapeDtypeStruct((_N, 1), jnp.float32),
        ],
    )(x, W, d0, d1)


_CB = 8
_NCHUNK = _B3 // _CB


def _agg_body(src_hbm, dst_hbm, g2_hbm, z_hbm, agg_hbm, src_ch, dst_ch,
              r0, r1, agg_sp, g0, g1, s0, s1):
    c = lax.axis_index("c")
    s = lax.axis_index("s")
    wid = c * _NS + s
    rows = (r0, r1)
    gsem = (g0, g1)
    ssem = (s0, s1)

    pltpu.sync_copy(z_hbm.at[pl.ds(s * _RT, _RT)], agg_sp.at[pl.ds(s * _RT, _RT)])
    plsc.subcore_barrier()

    def _chunk(i, carry):
        row = s * _NCHUNK + i
        pltpu.sync_copy(src_hbm.at[row], src_ch)
        pltpu.sync_copy(dst_hbm.at[row], dst_ch)

        def _xr(r, carry2):
            def _xj(j, carry3):
                v = src_ch[r, pl.ds(j * 16, 16)]
                src_ch[r, pl.ds(j * 16, 16)] = v * 2 + c
                return carry3

            return lax.fori_loop(0, _K // 16, _xj, carry2)

        lax.fori_loop(0, _CB, _xr, None)

        for j in range(_CB):
            p = j % 2
            if j >= 2:
                pltpu.make_async_copy(rows[p], agg_sp.at[dst_ch.at[j]], ssem[p]).wait()
            pltpu.async_copy(g2_hbm.at[src_ch.at[j]], rows[p], gsem[p])
            if j >= 1:
                q = 1 - p
                pltpu.make_async_copy(g2_hbm.at[src_ch.at[j - 1]], rows[q], gsem[q]).wait()
                pltpu.async_copy(rows[q], agg_sp.at[dst_ch.at[j - 1]], ssem[q], add=True)
        pltpu.make_async_copy(g2_hbm.at[src_ch.at[_CB - 1]], rows[1], gsem[1]).wait()
        pltpu.async_copy(rows[1], agg_sp.at[dst_ch.at[_CB - 1]], ssem[1], add=True)
        pltpu.make_async_copy(rows[0], agg_sp.at[dst_ch.at[0]], ssem[0]).wait()
        pltpu.make_async_copy(rows[1], agg_sp.at[dst_ch.at[0]], ssem[1]).wait()
        return carry

    lax.fori_loop(0, _NCHUNK, _chunk, None)

    plsc.subcore_barrier()
    pltpu.sync_copy(agg_sp.at[pl.ds(s * _RT, _RT)], agg_hbm.at[wid])


_agg_call = pl.kernel(
    _agg_body,
    out_type=jax.ShapeDtypeStruct((_NC * _NS, _RT, _H), jnp.float32),
    mesh=_MESH,
    scratch_types=[
        pltpu.VMEM((_CB, _K), jnp.int32),
        pltpu.VMEM((_CB, _K), jnp.int32),
        pltpu.VMEM((_K, _H), jnp.float32),
        pltpu.VMEM((_K, _H), jnp.float32),
        pltpu.VMEM_SHARED((_VP, _H), jnp.float32),
        pltpu.SemaphoreType.DMA,
        pltpu.SemaphoreType.DMA,
        pltpu.SemaphoreType.DMA,
        pltpu.SemaphoreType.DMA,
    ],
)


def _final_body(agg_ref, s_ref, dinv_ref, b_ref, o_ref):
    dinv = dinv_ref[...]
    sh = s_ref[...]
    o_ref[:, :_H] = jnp.maximum(dinv * agg_ref[0] + sh[:, :_H] + b_ref[:, :_H], 0.0)
    o_ref[:, _H:] = jnp.maximum(dinv * agg_ref[1] + sh[:, _H:] + b_ref[:, _H:], 0.0)


def _final(agg, sh, dinv, b2):
    rows = _N // 10
    return pl.pallas_call(
        _final_body,
        grid=(10,),
        in_specs=[
            pl.BlockSpec((2, rows, _H), lambda i: (0, i, 0)),
            pl.BlockSpec((rows, _D), lambda i: (i, 0)),
            pl.BlockSpec((rows, 1), lambda i: (i, 0)),
            pl.BlockSpec((1, _D), lambda i: (0, 0)),
        ],
        out_specs=pl.BlockSpec((rows, _D), lambda i: (i, 0)),
        out_shape=jax.ShapeDtypeStruct((_N, _D), jnp.float32),
    )(agg, sh, dinv, b2)


def kernel(x, edge_index, W, b):
    src = edge_index[0].astype(jnp.int32)
    dst = edge_index[1].astype(jnp.int32)
    pad = _EPAD - _E
    src_p = jnp.concatenate([src, jnp.zeros((pad,), jnp.int32)])
    dst_p = jnp.concatenate([dst, jnp.full((pad,), _DUMMY, jnp.int32)])

    degp = _deg_call(dst_p.reshape(_NC * _NS, _B1, _K)).reshape(_NC, _DP)
    d0 = degp[0, :_N][:, None]
    d1 = degp[1, :_N][:, None]

    g, sh, dinv = _scale(x, W, d0, d1)

    zeros_rows = jnp.zeros((_VP, _H), jnp.float32)
    agg = _agg_call(
        src_p.reshape(_NS * _NCHUNK, _CB, _K),
        dst_p.reshape(_NS * _NCHUNK, _CB, _K),
        g.reshape(2 * _N, _H),
        zeros_rows,
    ).reshape(_NC, _VP, _H)

    return _final(agg, sh, dinv, b.reshape(1, _D))

# --- scband reference (transcript-rebuilt; emitter-appended) ---
"""Pipeline reference for scband-graph-convolutional-layer-84482006712466 (READ-ONLY COPY).

The authoritative reference and input builder live on the scoring server;
editing this copy changes nothing except your own understanding.
"""

import jax, jax.numpy as jnp
import numpy as np

N_NODES = 10000
N_EDGES = 160000
D_IN = 256
D_OUT = 256


def setup_inputs(seed: int = 0) -> dict:
    key = jax.random.key(seed)
    k_x, k_e, k_w, k_b = jax.random.split(key, 4)
    x = jax.random.normal(k_x, (N_NODES, D_IN), dtype=jnp.float32)
    edge_index = jax.random.randint(k_e, (2, N_EDGES), 0, N_NODES, dtype=jnp.int64)
    # GCNConv learned parameters (glorot init for weight, zeros for bias, per PyG defaults)
    limit = float(np.sqrt(6.0 / (D_IN + D_OUT)))
    W = jax.random.uniform(k_w, (D_IN, D_OUT), dtype=jnp.float32, minval=-limit, maxval=limit)
    b = jnp.zeros((D_OUT,), dtype=jnp.float32)
    return {"x": x, "edge_index": edge_index, "W": W, "b": b}


def reference(x, edge_index, W, b):
    """GraphConvolutionalLayer(conv_type='gcn', activation='relu', dropout=0.0) forward.

    Faithful to PyG GCNConv: add self-loops, symmetric normalization
    D^{-1/2} A_hat D^{-1/2}, linear transform, scatter-add aggregation, bias,
    then ReLU activation. Dropout(p=0.0) is identity (eval semantics).
    """
    N = x.shape[0]
    src = edge_index[0]
    dst = edge_index[1]
    # add self loops
    loop = jnp.arange(N, dtype=src.dtype)
    src = jnp.concatenate([src, loop], axis=0)
    dst = jnp.concatenate([dst, loop], axis=0)
    # degree of destination nodes (edge_weight = 1)
    deg = jnp.zeros((N,), dtype=x.dtype).at[dst].add(1.0)
    deg_inv_sqrt = jnp.where(deg > 0, deg ** -0.5, 0.0)
    norm = deg_inv_sqrt[src] * deg_inv_sqrt[dst]
    # linear transform
    h = x @ W
    # message + scatter-add aggregation at destination
    msg = h[src] * norm[:, None]
    out = jnp.zeros((N, W.shape[1]), dtype=x.dtype).at[dst].add(msg)
    out = out + b
    # activation (ReLU); dropout p=0.0 -> identity
    out = jax.nn.relu(out)
    return out

if __name__ == "__main__":
    import jax
    _d = setup_inputs()
    print(jax.jit(kernel)(*tuple(_d.values())))

</pallas_src>

<mosaic_0001>
#map = affine_map<(d0, d1) -> (0, 0, 0)>
#map1 = affine_map<(d0, d1) -> (0, 0)>
module attributes {stable_mosaic.version = 14 : i64} {
  func.func @_deg_body(%arg0: i32, %arg1: i32, %arg2: memref<32x40x128xi32, #tpu.memory_space<hbm>>, %arg3: memref<32x640xf32, #tpu.memory_space<hbm>>, %arg4: memref<40x128xi32, #tpu.memory_space<vmem>>, %arg5: memref<128xf32, #tpu.memory_space<vmem>>, %arg6: memref<640xf32, #tpu.memory_space<vmem>>, %arg7: memref<10240xf32, #tpu.memory_space<vmem_shared>>) attributes {dimension_semantics = [#tpu.dimension_semantics<core_parallel>, #tpu.dimension_semantics<subcore_parallel>], iteration_bounds = array<i64: 2, 16>, scalar_prefetch = 0 : i64, scratch_operands = 4 : i64, tpu.core_type = #tpu.core_type<sc_vector_subcore>, window_params = [{transform_indices = #map}, {transform_indices = #map1}]} {
    %mul3A = arith.constant 16 : i32
    %mul3A_0 = arith.muli %arg0, %mul3A : i32
    %add3A = arith.addi %mul3A_0, %arg1 : i32
    %scan3A = arith.constant 0 : i32
    %scan3A_1 = arith.constant 40 : i32
    %scan3A_2 = arith.addi %scan3A, %scan3A_1 : i32
    %scan3A_3 = arith.constant 1 : i32
    scf.for %scan3A_20 = %scan3A to %scan3A_2 step %scan3A_3  : i32 {
      %broadcast_in_dim3A = arith.constant 0.000000e+00 : f32
      %broadcast_in_dim3A_21 = vector.broadcast %broadcast_in_dim3A : f32 to vector<16xf32>
      %mul3A_22 = arith.constant 16 : i32
      %mul3A_23 = arith.muli %scan3A_20, %mul3A_22 : i32
      %swap3A = arith.index_cast %mul3A_23 : i32 to index
      %swap3A_24 = tpu.vector_load %arg6[%swap3A] {strides = array<i32>} : memref<640xf32, #tpu.memory_space<vmem>>, vector<16xf32>,
      %swap3A_25 = vector.shape_cast %swap3A_24 : vector<16xf32> to vector<16xf32>
      %swap3A_26 = vector.shape_cast %broadcast_in_dim3A_21 : vector<16xf32> to vector<16xf32>
      tpu.vector_store %arg6[%swap3A], %swap3A_26 {strides = array<i32>} : memref<640xf32, #tpu.memory_space<vmem>>, vector<16xf32>,
    }
    %scan3A_4 = arith.constant 40 : i32
    %scan3A_5 = arith.constant 0 : i32
    %scan3A_6 = arith.constant 8 : i32
    %scan3A_7 = arith.addi %scan3A_5, %scan3A_6 : i32
    %scan3A_8 = arith.constant 1 : i32
    scf.for %scan3A_20 = %scan3A_5 to %scan3A_7 step %scan3A_8  : i32 {
      %broadcast_in_dim3A = arith.constant 1.000000e+00 : f32
      %broadcast_in_dim3A_21 = vector.broadcast %broadcast_in_dim3A : f32 to vector<16xf32>
      %mul3A_22 = arith.constant 16 : i32
      %mul3A_23 = arith.muli %scan3A_20, %mul3A_22 : i32
      %swap3A = arith.index_cast %mul3A_23 : i32 to index
      %swap3A_24 = tpu.vector_load %arg5[%swap3A] {strides = array<i32>} : memref<128xf32, #tpu.memory_space<vmem>>, vector<16xf32>,
      %swap3A_25 = vector.shape_cast %swap3A_24 : vector<16xf32> to vector<16xf32>
      %swap3A_26 = vector.shape_cast %broadcast_in_dim3A_21 : vector<16xf32> to vector<16xf32>
      tpu.vector_store %arg5[%swap3A], %swap3A_26 {strides = array<i32>} : memref<128xf32, #tpu.memory_space<vmem>>, vector<16xf32>,
    }
    %scan3A_9 = arith.constant 8 : i32
    %mul3A_10 = arith.constant 640 : i32
    %mul3A_11 = arith.muli %arg1, %mul3A_10 : i32
    "tpu.region"() ({
      %run_scoped3A = tpu.sem_alloc : memref<!tpu.dma_semaphore, #tpu.memory_space<semaphore_mem>>
      %dma_start3A = tpu.memref_slice %arg7[%mul3A_11] : memref<10240xf32, #tpu.memory_space<vmem_shared>> -> memref<640xf32, #tpu.memory_space<vmem_shared>>
      %dma_start3A_20 = tpu.memref_slice %arg7[%mul3A_11] : memref<10240xf32, #tpu.memory_space<vmem_shared>> -> memref<640xf32, #tpu.memory_space<vmem_shared>>
      tpu.enqueue_dma source(%arg6 : memref<640xf32, #tpu.memory_space<vmem>>) target(%dma_start3A_20 : memref<640xf32, #tpu.memory_space<vmem_shared>>) target_semaphore(%run_scoped3A : memref<!tpu.dma_semaphore, #tpu.memory_space<semaphore_mem>>)
      %dma_wait3A = tpu.memref_slice %arg7[%mul3A_11] : memref<10240xf32, #tpu.memory_space<vmem_shared>> -> memref<640xf32, #tpu.memory_space<vmem_shared>>
      %dma_wait3A_21 = tpu.memref_slice %arg7[%mul3A_11] : memref<10240xf32, #tpu.memory_space<vmem_shared>> -> memref<640xf32, #tpu.memory_space<vmem_shared>>
      tpu.wait_dma2 semaphore(%run_scoped3A : memref<!tpu.dma_semaphore, #tpu.memory_space<semaphore_mem>>) src(%arg6 : memref<640xf32, #tpu.memory_space<vmem>>) dst(%dma_wait3A_21 : memref<640xf32, #tpu.memory_space<vmem_shared>>)
      tpu.yield
    }) : () -> ()
    "tpu.region"() ({
      %run_scoped3A = tpu.sem_alloc : memref<!tpu.dma_semaphore, #tpu.memory_space<semaphore_mem>>
      %dma_start3A = arith.constant 0 : i32
      %dma_start3A_20 = arith.constant 0 : i32
      %dma_start3A_21 = tpu.memref_slice %arg2[%add3A, %dma_start3A, %dma_start3A_20] : memref<32x40x128xi32, #tpu.memory_space<hbm>> -> memref<1x40x128xi32, #tpu.memory_space<hbm>>
      %dma_start3A_22 = tpu.memref_squeeze %dma_start3A_21 : memref<1x40x128xi32, #tpu.memory_space<hbm>> -> memref<40x128xi32, #tpu.memory_space<hbm>>
      %dma_start3A_23 = arith.constant 0 : i32
      %dma_start3A_24 = arith.constant 0 : i32
      %dma_start3A_25 = tpu.memref_slice %arg2[%add3A, %dma_start3A_23, %dma_start3A_24] : memref<32x40x128xi32, #tpu.memory_space<hbm>> -> memref<1x40x128xi32, #tpu.memory_space<hbm>>
      %dma_start3A_26 = tpu.memref_squeeze %dma_start3A_25 : memref<1x40x128xi32, #tpu.memory_space<hbm>> -> memref<40x128xi32, #tpu.memory_space<hbm>>
      tpu.enqueue_dma source(%dma_start3A_26 : memref<40x128xi32, #tpu.memory_space<hbm>>) target(%arg4 : memref<40x128xi32, #tpu.memory_space<vmem>>) target_semaphore(%run_scoped3A : memref<!tpu.dma_semaphore, #tpu.memory_space<semaphore_mem>>)
      %dma_wait3A = arith.constant 0 : i32
      %dma_wait3A_27 = arith.constant 0 : i32
      %dma_wait3A_28 = tpu.memref_slice %arg2[%add3A, %dma_wait3A, %dma_wait3A_27] : memref<32x40x128xi32, #tpu.memory_space<hbm>> -> memref<1x40x128xi32, #tpu.memory_space<hbm>>
      %dma_wait3A_29 = tpu.memref_squeeze %dma_wait3A_28 : memref<1x40x128xi32, #tpu.memory_space<hbm>> -> memref<40x128xi32, #tpu.memory_space<hbm>>
      %dma_wait3A_30 = arith.constant 0 : i32
      %dma_wait3A_31 = arith.constant 0 : i32
      %dma_wait3A_32 = tpu.memref_slice %arg2[%add3A, %dma_wait3A_30, %dma_wait3A_31] : memref<32x40x128xi32, #tpu.memory_space<hbm>> -> memref<1x40x128xi32, #tpu.memory_space<hbm>>
      %dma_wait3A_33 = tpu.memref_squeeze %dma_wait3A_32 : memref<1x40x128xi32, #tpu.memory_space<hbm>> -> memref<40x128xi32, #tpu.memory_space<hbm>>
      tpu.wait_dma2 semaphore(%run_scoped3A : memref<!tpu.dma_semaphore, #tpu.memory_space<semaphore_mem>>) src(%dma_wait3A_33 : memref<40x128xi32, #tpu.memory_space<hbm>>) dst(%arg4 : memref<40x128xi32, #tpu.memory_space<vmem>>)
      tpu.yield
    }) : () -> ()
    %barrier3A = arith.constant 0 : index
    tpu.barrier barrier_id(%barrier3A)
    %scan3A_12 = arith.constant 0 : i32
    %scan3A_13 = arith.constant 40 : i32
    %scan3A_14 = arith.addi %scan3A_12, %scan3A_13 : i32
    %scan3A_15 = arith.constant 1 : i32
    scf.for %scan3A_20 = %scan3A_12 to %scan3A_14 step %scan3A_15  : i32 {
      "tpu.region"() ({
        %run_scoped3A = tpu.sem_alloc : memref<!tpu.dma_semaphore, #tpu.memory_space<semaphore_mem>>
        %dma_start3A = arith.constant 0 : i32
        %dma_start3A_21 = tpu.memref_slice %arg4[%scan3A_20, %dma_start3A] : memref<40x128xi32, #tpu.memory_space<vmem>> -> memref<1x128xi32, #tpu.memory_space<vmem>>
        %dma_start3A_22 = tpu.memref_squeeze %dma_start3A_21 : memref<1x128xi32, #tpu.memory_space<vmem>> -> memref<128xi32, #tpu.memory_space<vmem>>
        %dma_start3A_23 = arith.constant 0 : i32
        %dma_start3A_24 = tpu.memref_slice %arg7[%dma_start3A_23] : memref<10240xf32, #tpu.memory_space<vmem_shared>> -> memref<10240xf32, #tpu.memory_space<vmem_shared>>
        tpu.enqueue_indirect_dma source(%arg5 : memref<128xf32, #tpu.memory_space<vmem>>) target(%dma_start3A_24 : memref<10240xf32, #tpu.memory_space<vmem_shared>>) offsets(%dma_start3A_22 : memref<128xi32, #tpu.memory_space<vmem>>) semaphore(%run_scoped3A : memref<!tpu.dma_semaphore, #tpu.memory_space<semaphore_mem>>) {add = true}
        %dma_wait3A = arith.constant 0 : i32
        %dma_wait3A_25 = tpu.memref_slice %arg4[%scan3A_20, %dma_wait3A] : memref<40x128xi32, #tpu.memory_space<vmem>> -> memref<1x128xi32, #tpu.memory_space<vmem>>
        %dma_wait3A_26 = tpu.memref_squeeze %dma_wait3A_25 : memref<1x128xi32, #tpu.memory_space<vmem>> -> memref<128xi32, #tpu.memory_space<vmem>>
        %dma_wait3A_27 = arith.constant 0 : i32
        %dma_wait3A_28 = tpu.memref_slice %arg7[%dma_wait3A_27] : memref<10240xf32, #tpu.memory_space<vmem_shared>> -> memref<10240xf32, #tpu.memory_space<vmem_shared>>
        tpu.wait_indirect_dma semaphore(%run_scoped3A : memref<!tpu.dma_semaphore, #tpu.memory_space<semaphore_mem>>) src(%arg5 : memref<128xf32, #tpu.memory_space<vmem>>) dst(%dma_wait3A_28 : memref<10240xf32, #tpu.memory_space<vmem_shared>>)
        tpu.yield
      }) : () -> ()
    }
    %scan3A_16 = arith.constant 40 : i32
    %barrier3A_17 = arith.constant 0 : index
    tpu.barrier barrier_id(%barrier3A_17)
    %mul3A_18 = arith.constant 640 : i32
    %mul3A_19 = arith.muli %arg1, %mul3A_18 : i32
    "tpu.region"() ({
      %run_scoped3A = tpu.sem_alloc : memref<!tpu.dma_semaphore, #tpu.memory_space<semaphore_mem>>
      %dma_start3A = arith.constant 0 : i32
      %dma_start3A_20 = tpu.memref_slice %arg3[%add3A, %dma_start3A] : memref<32x640xf32, #tpu.memory_space<hbm>> -> memref<1x640xf32, #tpu.memory_space<hbm>>
      %dma_start3A_21 = tpu.memref_squeeze %dma_start3A_20 : memref<1x640xf32, #tpu.memory_space<hbm>> -> memref<640xf32, #tpu.memory_space<hbm>>
      %dma_start3A_22 = tpu.memref_slice %arg7[%mul3A_19] : memref<10240xf32, #tpu.memory_space<vmem_shared>> -> memref<640xf32, #tpu.memory_space<vmem_shared>>
      tpu.enqueue_dma source(%dma_start3A_22 : memref<640xf32, #tpu.memory_space<vmem_shared>>) target(%dma_start3A_21 : memref<640xf32, #tpu.memory_space<hbm>>) target_semaphore(%run_scoped3A : memref<!tpu.dma_semaphore, #tpu.memory_space<semaphore_mem>>)
      %dma_wait3A = arith.constant 0 : i32
      %dma_wait3A_23 = tpu.memref_slice %arg3[%add3A, %dma_wait3A] : memref<32x640xf32, #tpu.memory_space<hbm>> -> memref<1x640xf32, #tpu.memory_space<hbm>>
      %dma_wait3A_24 = tpu.memref_squeeze %dma_wait3A_23 : memref<1x640xf32, #tpu.memory_space<hbm>> -> memref<640xf32, #tpu.memory_space<hbm>>
      %dma_wait3A_25 = tpu.memref_slice %arg7[%mul3A_19] : memref<10240xf32, #tpu.memory_space<vmem_shared>> -> memref<640xf32, #tpu.memory_space<vmem_shared>>
      tpu.wait_dma2 semaphore(%run_scoped3A : memref<!tpu.dma_semaphore, #tpu.memory_space<semaphore_mem>>) src(%dma_wait3A_25 : memref<640xf32, #tpu.memory_space<vmem_shared>>) dst(%dma_wait3A_24 : memref<640xf32, #tpu.memory_space<hbm>>)
      tpu.yield
    }) : () -> ()
    return
  }
}

#map = affine_map<(d0, d1) -> (0, 0, 0)>
#map1 = affine_map<(d0, d1) -> (0, 0)>
module attributes {stable_mosaic.version = 14 : i64} {
  func.func @_agg_body(%arg0: i32, %arg1: i32, %arg2: memref<160x8x128xi32, #tpu.memory_space<hbm>>, %arg3: memref<160x8x128xi32, #tpu.memory_space<hbm>>, %arg4: memref<20000x128xf32, #tpu.memory_space<hbm>>, %arg5: memref<10112x128xf32, #tpu.memory_space<hbm>>, %arg6: memref<32x632x128xf32, #tpu.memory_space<hbm>>, %arg7: memref<8x128xi32, #tpu.memory_space<vmem>>, %arg8: memref<8x128xi32, #tpu.memory_space<vmem>>, %arg9: memref<128x128xf32, #tpu.memory_space<vmem>>, %arg10: memref<128x128xf32, #tpu.memory_space<vmem>>, %arg11: memref<10112x128xf32, #tpu.memory_space<vmem_shared>>, %arg12: memref<!tpu.dma_semaphore, #tpu.memory_space<semaphore_mem>>, %arg13: memref<!tpu.dma_semaphore, #tpu.memory_space<semaphore_mem>>, %arg14: memref<!tpu.dma_semaphore, #tpu.memory_space<semaphore_mem>>, %arg15: memref<!tpu.dma_semaphore, #tpu.memory_space<semaphore_mem>>) attributes {dimension_semantics = [#tpu.dimension_semantics<core_parallel>, #tpu.dimension_semantics<subcore_parallel>], iteration_bounds = array<i64: 2, 16>, scalar_prefetch = 0 : i64, scratch_operands = 9 : i64, tpu.core_type = #tpu.core_type<sc_vector_subcore>, window_params = [{transform_indices = #map}, {transform_indices = #map}, {transform_indices = #map1}, {transform_indices = #map1}, {transform_indices = #map}]} {
    %mul3A = arith.constant 16 : i32
    %mul3A_0 = arith.muli %arg0, %mul3A : i32
    %add3A = arith.addi %mul3A_0, %arg1 : i32
    %mul3A_1 = arith.constant 632 : i32
    %mul3A_2 = arith.muli %arg1, %mul3A_1 : i32
    %mul3A_3 = arith.constant 632 : i32
    %mul3A_4 = arith.muli %arg1, %mul3A_3 : i32
    "tpu.region"() ({
      %run_scoped3A = tpu.sem_alloc : memref<!tpu.dma_semaphore, #tpu.memory_space<semaphore_mem>>
      %dma_start3A = arith.constant 0 : i32
      %dma_start3A_12 = tpu.memref_slice %arg11[%mul3A_4, %dma_start3A] : memref<10112x128xf32, #tpu.memory_space<vmem_shared>> -> memref<632x128xf32, #tpu.memory_space<vmem_shared>>
      %dma_start3A_13 = arith.constant 0 : i32
      %dma_start3A_14 = tpu.memref_slice %arg5[%mul3A_2, %dma_start3A_13] : memref<10112x128xf32, #tpu.memory_space<hbm>> -> memref<632x128xf32, #tpu.memory_space<hbm>>
      tpu.enqueue_dma source(%dma_start3A_14 : memref<632x128xf32, #tpu.memory_space<hbm>>) target(%dma_start3A_12 : memref<632x128xf32, #tpu.memory_space<vmem_shared>>) target_semaphore(%run_scoped3A : memref<!tpu.dma_semaphore, #tpu.memory_space<semaphore_mem>>)
      %dma_wait3A = arith.constant 0 : i32
      %dma_wait3A_15 = tpu.memref_slice %arg11[%mul3A_4, %dma_wait3A] : memref<10112x128xf32, #tpu.memory_space<vmem_shared>> -> memref<632x128xf32, #tpu.memory_space<vmem_shared>>
      %dma_wait3A_16 = arith.constant 0 : i32
      %dma_wait3A_17 = tpu.memref_slice %arg5[%mul3A_2, %dma_wait3A_16] : memref<10112x128xf32, #tpu.memory_space<hbm>> -> memref<632x128xf32, #tpu.memory_space<hbm>>
      tpu.wait_dma2 semaphore(%run_scoped3A : memref<!tpu.dma_semaphore, #tpu.memory_space<semaphore_mem>>) src(%dma_wait3A_17 : memref<632x128xf32, #tpu.memory_space<hbm>>) dst(%dma_wait3A_15 : memref<632x128xf32, #tpu.memory_space<vmem_shared>>)
      tpu.yield
    }) : () -> ()
    %barrier3A = arith.constant 0 : index
    tpu.barrier barrier_id(%barrier3A)
    %scan3A = arith.constant 0 : i32
    %scan3A_5 = arith.constant 10 : i32
    %scan3A_6 = arith.addi %scan3A, %scan3A_5 : i32
    %scan3A_7 = arith.constant 1 : i32
    scf.for %scan3A_12 = %scan3A to %scan3A_6 step %scan3A_7  : i32 {
      %mul3A_13 = arith.constant 10 : i32
      %mul3A_14 = arith.muli %arg1, %mul3A_13 : i32
      %add3A_15 = arith.addi %mul3A_14, %scan3A_12 : i32
      "tpu.region"() ({
        %run_scoped3A = tpu.sem_alloc : memref<!tpu.dma_semaphore, #tpu.memory_space<semaphore_mem>>
        %dma_start3A_243 = arith.constant 0 : i32
        %dma_start3A_244 = arith.constant 0 : i32
        %dma_start3A_245 = tpu.memref_slice %arg2[%add3A_15, %dma_start3A_243, %dma_start3A_244] : memref<160x8x128xi32, #tpu.memory_space<hbm>> -> memref<1x8x128xi32, #tpu.memory_space<hbm>>
        %dma_start3A_246 = tpu.memref_squeeze %dma_start3A_245 : memref<1x8x128xi32, #tpu.memory_space<hbm>> -> memref<8x128xi32, #tpu.memory_space<hbm>>
        %dma_start3A_247 = arith.constant 0 : i32
        %dma_start3A_248 = arith.constant 0 : i32
        %dma_start3A_249 = tpu.memref_slice %arg2[%add3A_15, %dma_start3A_247, %dma_start3A_248] : memref<160x8x128xi32, #tpu.memory_space<hbm>> -> memref<1x8x128xi32, #tpu.memory_space<hbm>>
        %dma_start3A_250 = tpu.memref_squeeze %dma_start3A_249 : memref<1x8x128xi32, #tpu.memory_space<hbm>> -> memref<8x128xi32, #tpu.memory_space<hbm>>
        tpu.enqueue_dma source(%dma_start3A_250 : memref<8x128xi32, #tpu.memory_space<hbm>>) target(%arg7 : memref<8x128xi32, #tpu.memory_space<vmem>>) target_semaphore(%run_scoped3A : memref<!tpu.dma_semaphore, #tpu.memory_space<semaphore_mem>>)
        %dma_wait3A_251 = arith.constant 0 : i32
        %dma_wait3A_252 = arith.constant 0 : i32
        %dma_wait3A_253 = tpu.memref_slice %arg2[%add3A_15, %dma_wait3A_251, %dma_wait3A_252] : memref<160x8x128xi32, #tpu.memory_space<hbm>> -> memref<1x8x128xi32, #tpu.memory_space<hbm>>
        %dma_wait3A_254 = tpu.memref_squeeze %dma_wait3A_253 : memref<1x8x128xi32, #tpu.memory_space<hbm>> -> memref<8x128xi32, #tpu.memory_space<hbm>>
        %dma_wait3A_255 = arith.constant 0 : i32
        %dma_wait3A_256 = arith.constant 0 : i32
        %dma_wait3A_257 = tpu.memref_slice %arg2[%add3A_15, %dma_wait3A_255, %dma_wait3A_256] : memref<160x8x128xi32, #tpu.memory_space<hbm>> -> memref<1x8x128xi32, #tpu.memory_space<hbm>>
        %dma_wait3A_258 = tpu.memref_squeeze %dma_wait3A_257 : memref<1x8x128xi32, #tpu.memory_space<hbm>> -> memref<8x128xi32, #tpu.memory_space<hbm>>
        tpu.wait_dma2 semaphore(%run_scoped3A : memref<!tpu.dma_semaphore, #tpu.memory_space<semaphore_mem>>) src(%dma_wait3A_258 : memref<8x128xi32, #tpu.memory_space<hbm>>) dst(%arg7 : memref<8x128xi32, #tpu.memory_space<vmem>>)
        tpu.yield
      }) : () -> ()
      "tpu.region"() ({
        %run_scoped3A = tpu.sem_alloc : memref<!tpu.dma_semaphore, #tpu.memory_space<semaphore_mem>>
        %dma_start3A_243 = arith.constant 0 : i32
        %dma_start3A_244 = arith.constant 0 : i32
        %dma_start3A_245 = tpu.memref_slice %arg3[%add3A_15, %dma_start3A_243, %dma_start3A_244] : memref<160x8x128xi32, #tpu.memory_space<hbm>> -> memref<1x8x128xi32, #tpu.memory_space<hbm>>
        %dma_start3A_246 = tpu.memref_squeeze %dma_start3A_245 : memref<1x8x128xi32, #tpu.memory_space<hbm>> -> memref<8x128xi32, #tpu.memory_space<hbm>>
        %dma_start3A_247 = arith.constant 0 : i32
        %dma_start3A_248 = arith.constant 0 : i32
        %dma_start3A_249 = tpu.memref_slice %arg3[%add3A_15, %dma_start3A_247, %dma_start3A_248] : memref<160x8x128xi32, #tpu.memory_space<hbm>> -> memref<1x8x128xi32, #tpu.memory_space<hbm>>
        %dma_start3A_250 = tpu.memref_squeeze %dma_start3A_249 : memref<1x8x128xi32, #tpu.memory_space<hbm>> -> memref<8x128xi32, #tpu.memory_space<hbm>>
        tpu.enqueue_dma source(%dma_start3A_250 : memref<8x128xi32, #tpu.memory_space<hbm>>) target(%arg8 : memref<8x128xi32, #tpu.memory_space<vmem>>) target_semaphore(%run_scoped3A : memref<!tpu.dma_semaphore, #tpu.memory_space<semaphore_mem>>)
        %dma_wait3A_251 = arith.constant 0 : i32
        %dma_wait3A_252 = arith.constant 0 : i32
        %dma_wait3A_253 = tpu.memref_slice %arg3[%add3A_15, %dma_wait3A_251, %dma_wait3A_252] : memref<160x8x128xi32, #tpu.memory_space<hbm>> -> memref<1x8x128xi32, #tpu.memory_space<hbm>>
        %dma_wait3A_254 = tpu.memref_squeeze %dma_wait3A_253 : memref<1x8x128xi32, #tpu.memory_space<hbm>> -> memref<8x128xi32, #tpu.memory_space<hbm>>
        %dma_wait3A_255 = arith.constant 0 : i32
        %dma_wait3A_256 = arith.constant 0 : i32
        %dma_wait3A_257 = tpu.memref_slice %arg3[%add3A_15, %dma_wait3A_255, %dma_wait3A_256] : memref<160x8x128xi32, #tpu.memory_space<hbm>> -> memref<1x8x128xi32, #tpu.memory_space<hbm>>
        %dma_wait3A_258 = tpu.memref_squeeze %dma_wait3A_257 : memref<1x8x128xi32, #tpu.memory_space<hbm>> -> memref<8x128xi32, #tpu.memory_space<hbm>>
        tpu.wait_dma2 semaphore(%run_scoped3A : memref<!tpu.dma_semaphore, #tpu.memory_space<semaphore_mem>>) src(%dma_wait3A_258 : memref<8x128xi32, #tpu.memory_space<hbm>>) dst(%arg8 : memref<8x128xi32, #tpu.memory_space<vmem>>)
        tpu.yield
      }) : () -> ()
      %scan3A_16 = arith.constant 0 : i32
      %scan3A_17 = arith.constant 8 : i32
      %scan3A_18 = arith.addi %scan3A_16, %scan3A_17 : i32
      %scan3A_19 = arith.constant 1 : i32
      scf.for %scan3A_243 = %scan3A_16 to %scan3A_18 step %scan3A_19  : i32 {
        %scan3A_244 = arith.constant 0 : i32
        %scan3A_245 = arith.constant 8 : i32
        %scan3A_246 = arith.addi %scan3A_244, %scan3A_245 : i32
        %scan3A_247 = arith.constant 1 : i32
        scf.for %scan3A_249 = %scan3A_244 to %scan3A_246 step %scan3A_247  : i32 {
          %mul3A_250 = arith.constant 16 : i32
          %mul3A_251 = arith.muli %scan3A_249, %mul3A_250 : i32
          %get3A = arith.index_cast %scan3A_243 : i32 to index
          %get3A_252 = arith.index_cast %mul3A_251 : i32 to index
          %get3A_253 = tpu.vector_load %arg7[%get3A, %get3A_252] {strides = array<i32>} : memref<8x128xi32, #tpu.memory_space<vmem>>, vector<1x16xi32>,
          %get3A_254 = vector.shape_cast %get3A_253 : vector<1x16xi32> to vector<16xi32>
          %mul3A_255 = arith.constant 2 : i32
          %mul3A_256 = vector.broadcast %mul3A_255 : i32 to vector<16xi32>
          %mul3A_257 = arith.muli %get3A_254, %mul3A_256 : vector<16xi32>
          %add3A_258 = vector.broadcast %arg0 : i32 to vector<16xi32>
          %add3A_259 = arith.addi %mul3A_257, %add3A_258 : vector<16xi32>
          %mul3A_260 = arith.constant 16 : i32
          %mul3A_261 = arith.muli %scan3A_249, %mul3A_260 : i32
          %swap3A = arith.index_cast %scan3A_243 : i32 to index
          %swap3A_262 = arith.index_cast %mul3A_261 : i32 to index
          %swap3A_263 = tpu.vector_load %arg7[%swap3A, %swap3A_262] {strides = array<i32>} : memref<8x128xi32, #tpu.memory_space<vmem>>, vector<1x16xi32>,
          %swap3A_264 = vector.shape_cast %swap3A_263 : vector<1x16xi32> to vector<16xi32>
          %swap3A_265 = vector.shape_cast %add3A_259 : vector<16xi32> to vector<1x16xi32>
          tpu.vector_store %arg7[%swap3A, %swap3A_262], %swap3A_265 {strides = array<i32>} : memref<8x128xi32, #tpu.memory_space<vmem>>, vector<1x16xi32>,
        }
        %scan3A_248 = arith.constant 8 : i32
      }
      %scan3A_20 = arith.constant 8 : i32
      %dma_start3A = arith.constant 0 : i32
      %dma_start3A_21 = arith.constant 0 : i32
      %dma_start3A_22 = tpu.memref_slice %arg7[%dma_start3A, %dma_start3A_21] : memref<8x128xi32, #tpu.memory_space<vmem>> -> memref<1x128xi32, #tpu.memory_space<vmem>>
      %dma_start3A_23 = tpu.memref_squeeze %dma_start3A_22 : memref<1x128xi32, #tpu.memory_space<vmem>> -> memref<128xi32, #tpu.memory_space<vmem>>
      %dma_start3A_24 = arith.constant 0 : i32
      %dma_start3A_25 = arith.constant 0 : i32
      %dma_start3A_26 = tpu.memref_slice %arg4[%dma_start3A_24, %dma_start3A_25] : memref<20000x128xf32, #tpu.memory_space<hbm>> -> memref<20000x128xf32, #tpu.memory_space<hbm>>
      tpu.enqueue_indirect_dma source(%dma_start3A_26 : memref<20000x128xf32, #tpu.memory_space<hbm>>) target(%arg9 : memref<128x128xf32, #tpu.memory_space<vmem>>) offsets(%dma_start3A_23 : memref<128xi32, #tpu.memory_space<vmem>>) semaphore(%arg12 : memref<!tpu.dma_semaphore, #tpu.memory_space<semaphore_mem>>)
      %dma_start3A_27 = arith.constant 1 : i32
      %dma_start3A_28 = arith.constant 0 : i32
      %dma_start3A_29 = tpu.memref_slice %arg7[%dma_start3A_27, %dma_start3A_28] : memref<8x128xi32, #tpu.memory_space<vmem>> -> memref<1x128xi32, #tpu.memory_space<vmem>>
      %dma_start3A_30 = tpu.memref_squeeze %dma_start3A_29 : memref<1x128xi32, #tpu.memory_space<vmem>> -> memref<128xi32, #tpu.memory_space<vmem>>
      %dma_start3A_31 = arith.constant 0 : i32
      %dma_start3A_32 = arith.constant 0 : i32
      %dma_start3A_33 = tpu.memref_slice %arg4[%dma_start3A_31, %dma_start3A_32] : memref<20000x128xf32, #tpu.memory_space<hbm>> -> memref<20000x128xf32, #tpu.memory_space<hbm>>
      tpu.enqueue_indirect_dma source(%dma_start3A_33 : memref<20000x128xf32, #tpu.memory_space<hbm>>) target(%arg10 : memref<128x128xf32, #tpu.memory_space<vmem>>) offsets(%dma_start3A_30 : memref<128xi32, #tpu.memory_space<vmem>>) semaphore(%arg13 : memref<!tpu.dma_semaphore, #tpu.memory_space<semaphore_mem>>)
      %dma_wait3A = arith.constant 0 : i32
      %dma_wait3A_34 = arith.constant 0 : i32
      %dma_wait3A_35 = tpu.memref_slice %arg7[%dma_wait3A, %dma_wait3A_34] : memref<8x128xi32, #tpu.memory_space<vmem>> -> memref<1x128xi32, #tpu.memory_space<vmem>>
      %dma_wait3A_36 = tpu.memref_squeeze %dma_wait3A_35 : memref<1x128xi32, #tpu.memory_space<vmem>> -> memref<128xi32, #tpu.memory_space<vmem>>
      %dma_wait3A_37 = arith.constant 0 : i32
      %dma_wait3A_38 = arith.constant 0 : i32
      %dma_wait3A_39 = tpu.memref_slice %arg4[%dma_wait3A_37, %dma_wait3A_38] : memref<20000x128xf32, #tpu.memory_space<hbm>> -> memref<20000x128xf32, #tpu.memory_space<hbm>>
      tpu.wait_indirect_dma semaphore(%arg12 : memref<!tpu.dma_semaphore, #tpu.memory_space<semaphore_mem>>) src(%dma_wait3A_39 : memref<20000x128xf32, #tpu.memory_space<hbm>>) dst(%arg9 : memref<128x128xf32, #tpu.memory_space<vmem>>)
      %dma_start3A_40 = arith.constant 0 : i32
      %dma_start3A_41 = arith.constant 0 : i32
      %dma_start3A_42 = tpu.memref_slice %arg8[%dma_start3A_40, %dma_start3A_41] : memref<8x128xi32, #tpu.memory_space<vmem>> -> memref<1x128xi32, #tpu.memory_space<vmem>>
      %dma_start3A_43 = tpu.memref_squeeze %dma_start3A_42 : memref<1x128xi32, #tpu.memory_space<vmem>> -> memref<128xi32, #tpu.memory_space<vmem>>
      %dma_start3A_44 = arith.constant 0 : i32
      %dma_start3A_45 = arith.constant 0 : i32
      %dma_start3A_46 = tpu.memref_slice %arg11[%dma_start3A_44, %dma_start3A_45] : memref<10112x128xf32, #tpu.memory_space<vmem_shared>> -> memref<10112x128xf32, #tpu.memory_space<vmem_shared>>
      tpu.enqueue_indirect_dma source(%arg9 : memref<128x128xf32, #tpu.memory_space<vmem>>) target(%dma_start3A_46 : memref<10112x128xf32, #tpu.memory_space<vmem_shared>>) offsets(%dma_start3A_43 : memref<128xi32, #tpu.memory_space<vmem>>) semaphore(%arg14 : memref<!tpu.dma_semaphore, #tpu.memory_space<semaphore_mem>>) {add = true}
      %dma_wait3A_47 = arith.constant 2 : i32
      %dma_wait3A_48 = arith.constant 0 : i32
      %dma_wait3A_49 = tpu.memref_slice %arg8[%dma_wait3A_47, %dma_wait3A_48] : memref<8x128xi32, #tpu.memory_space<vmem>> -> memref<1x128xi32, #tpu.memory_space<vmem>>
      %dma_wait3A_50 = tpu.memref_squeeze %dma_wait3A_49 : memref<1x128xi32, #tpu.memory_space<vmem>> -> memref<128xi32, #tpu.memory_space<vmem>>
      %dma_wait3A_51 = arith.constant 0 : i32
      %dma_wait3A_52 = arith.constant 0 : i32
      %dma_wait3A_53 = tpu.memref_slice %arg11[%dma_wait3A_51, %dma_wait3A_52] : memref<10112x128xf32, #tpu.memory_space<vmem_shared>> -> memref<10112x128xf32, #tpu.memory_space<vmem_shared>>
      tpu.wait_indirect_dma semaphore(%arg14 : memref<!tpu.dma_semaphore, #tpu.memory_space<semaphore_mem>>) src(%arg9 : memref<128x128xf32, #tpu.memory_space<vmem>>) dst(%dma_wait3A_53 : memref<10112x128xf32, #tpu.memory_space<vmem_shared>>)
      %dma_start3A_54 = arith.constant 2 : i32
      %dma_start3A_55 = arith.constant 0 : i32
      %dma_start3A_56 = tpu.memref_slice %arg7[%dma_start3A_54, %dma_start3A_55] : memref<8x128xi32, #tpu.memory_space<vmem>> -> memref<1x128xi32, #tpu.memory_space<vmem>>
      %dma_start3A_57 = tpu.memref_squeeze %dma_start3A_56 : memref<1x128xi32, #tpu.memory_space<vmem>> -> memref<128xi32, #tpu.memory_space<vmem>>
      %dma_start3A_58 = arith.constant 0 : i32
      %dma_start3A_59 = arith.constant 0 : i32
      %dma_start3A_60 = tpu.memref_slice %arg4[%dma_start3A_58, %dma_start3A_59] : memref<20000x128xf32, #tpu.memory_space<hbm>> -> memref<20000x128xf32, #tpu.memory_space<hbm>>
      tpu.enqueue_indirect_dma source(%dma_start3A_60 : memref<20000x128xf32, #tpu.memory_space<hbm>>) target(%arg9 : memref<128x128xf32, #tpu.memory_space<vmem>>) offsets(%dma_start3A_57 : memref<128xi32, #tpu.memory_space<vmem>>) semaphore(%arg12 : memref<!tpu.dma_semaphore, #tpu.memory_space<semaphore_mem>>)
      %dma_wait3A_61 = arith.constant 1 : i32
      %dma_wait3A_62 = arith.constant 0 : i32
      %dma_wait3A_63 = tpu.memref_slice %arg7[%dma_wait3A_61, %dma_wait3A_62] : memref<8x128xi32, #tpu.memory_space<vmem>> -> memref<1x128xi32, #tpu.memory_space<vmem>>
      %dma_wait3A_64 = tpu.memref_squeeze %dma_wait3A_63 : memref<1x128xi32, #tpu.memory_space<vmem>> -> memref<128xi32, #tpu.memory_space<vmem>>
      %dma_wait3A_65 = arith.constant 0 : i32
      %dma_wait3A_66 = arith.constant 0 : i32
      %dma_wait3A_67 = tpu.memref_slice %arg4[%dma_wait3A_65, %dma_wait3A_66] : memref<20000x128xf32, #tpu.memory_space<hbm>> -> memref<20000x128xf32, #tpu.memory_space<hbm>>
      tpu.wait_indirect_dma semaphore(%arg13 : memref<!tpu.dma_semaphore, #tpu.memory_space<semaphore_mem>>) src(%dma_wait3A_67 : memref<20000x128xf32, #tpu.memory_space<hbm>>) dst(%arg10 : memref<128x128xf32, #tpu.memory_space<vmem>>)
      %dma_start3A_68 = arith.constant 1 : i32
      %dma_start3A_69 = arith.constant 0 : i32
      %dma_start3A_70 = tpu.memref_slice %arg8[%dma_start3A_68, %dma_start3A_69] : memref<8x128xi32, #tpu.memory_space<vmem>> -> memref<1x128xi32, #tpu.memory_space<vmem>>
      %dma_start3A_71 = tpu.memref_squeeze %dma_start3A_70 : memref<1x128xi32, #tpu.memory_space<vmem>> -> memref<128xi32, #tpu.memory_space<vmem>>
      %dma_start3A_72 = arith.constant 0 : i32
      %dma_start3A_73 = arith.constant 0 : i32
      %dma_start3A_74 = tpu.memref_slice %arg11[%dma_start3A_72, %dma_start3A_73] : memref<10112x128xf32, #tpu.memory_space<vmem_shared>> -> memref<10112x128xf32, #tpu.memory_space<vmem_shared>>
      tpu.enqueue_indirect_dma source(%arg10 : memref<128x128xf32, #tpu.memory_space<vmem>>) target(%dma_start3A_74 : memref<10112x128xf32, #tpu.memory_space<vmem_shared>>) offsets(%dma_start3A_71 : memref<128xi32, #tpu.memory_space<vmem>>) semaphore(%arg15 : memref<!tpu.dma_semaphore, #tpu.memory_space<semaphore_mem>>) {add = true}
      %dma_wait3A_75 = arith.constant 3 : i32
      %dma_wait3A_76 = arith.constant 0 : i32
      %dma_wait3A_77 = tpu.memref_slice %arg8[%dma_wait3A_75, %dma_wait3A_76] : memref<8x128xi32, #tpu.memory_space<vmem>> -> memref<1x128xi32, #tpu.memory_space<vmem>>
      %dma_wait3A_78 = tpu.memref_squeeze %dma_wait3A_77 : memref<1x128xi32, #tpu.memory_space<vmem>> -> memref<128xi32, #tpu.memory_space<vmem>>
      %dma_wait3A_79 = arith.constant 0 : i32
      %dma_wait3A_80 = arith.constant 0 : i32
      %dma_wait3A_81 = tpu.memref_slice %arg11[%dma_wait3A_79, %dma_wait3A_80] : memref<10112x128xf32, #tpu.memory_space<vmem_shared>> -> memref<10112x128xf32, #tpu.memory_space<vmem_shared>>
      tpu.wait_indirect_dma semaphore(%arg15 : memref<!tpu.dma_semaphore, #tpu.memory_space<semaphore_mem>>) src(%arg10 : memref<128x128xf32, #tpu.memory_space<vmem>>) dst(%dma_wait3A_81 : memref<10112x128xf32, #tpu.memory_space<vmem_shared>>)
      %dma_start3A_82 = arith.constant 3 : i32
      %dma_start3A_83 = arith.constant 0 : i32
      %dma_start3A_84 = tpu.memref_slice %arg7[%dma_start3A_82, %dma_start3A_83] : memref<8x128xi32, #tpu.memory_space<vmem>> -> memref<1x128xi32, #tpu.memory_space<vmem>>
      %dma_start3A_85 = tpu.memref_squeeze %dma_start3A_84 : memref<1x128xi32, #tpu.memory_space<vmem>> -> memref<128xi32, #tpu.memory_space<vmem>>
      %dma_start3A_86 = arith.constant 0 : i32
      %dma_start3A_87 = arith.constant 0 : i32
      %dma_start3A_88 = tpu.memref_slice %arg4[%dma_start3A_86, %dma_start3A_87] : memref<20000x128xf32, #tpu.memory_space<hbm>> -> memref<20000x128xf32, #tpu.memory_space<hbm>>
      tpu.enqueue_indirect_dma source(%dma_start3A_88 : memref<20000x128xf32, #tpu.memory_space<hbm>>) target(%arg10 : memref<128x128xf32, #tpu.memory_space<vmem>>) offsets(%dma_start3A_85 : memref<128xi32, #tpu.memory_space<vmem>>) semaphore(%arg13 : memref<!tpu.dma_semaphore, #tpu.memory_space<semaphore_mem>>)
      %dma_wait3A_89 = arith.constant 2 : i32
      %dma_wait3A_90 = arith.constant 0 : i32
      %dma_wait3A_91 = tpu.memref_slice %arg7[%dma_wait3A_89, %dma_wait3A_90] : memref<8x128xi32, #tpu.memory_space<vmem>> -> memref<1x128xi32, #tpu.memory_space<vmem>>
      %dma_wait3A_92 = tpu.memref_squeeze %dma_wait3A_91 : memref<1x128xi32, #tpu.memory_space<vmem>> -> memref<128xi32, #tpu.memory_space<vmem>>
      %dma_wait3A_93 = arith.constant 0 : i32
      %dma_wait3A_94 = arith.constant 0 : i32
      %dma_wait3A_95 = tpu.memref_slice %arg4[%dma_wait3A_93, %dma_wait3A_94] : memref<20000x128xf32, #tpu.memory_space<hbm>> -> memref<20000x128xf32, #tpu.memory_space<hbm>>
      tpu.wait_indirect_dma semaphore(%arg12 : memref<!tpu.dma_semaphore, #tpu.memory_space<semaphore_mem>>) src(%dma_wait3A_95 : memref<20000x128xf32, #tpu.memory_space<hbm>>) dst(%arg9 : memref<128x128xf32, #tpu.memory_space<vmem>>)
      %dma_start3A_96 = arith.constant 2 : i32
      %dma_start3A_97 = arith.constant 0 : i32
      %dma_start3A_98 = tpu.memref_slice %arg8[%dma_start3A_96, %dma_start3A_97] : memref<8x128xi32, #tpu.memory_space<vmem>> -> memref<1x128xi32, #tpu.memory_space<vmem>>
      %dma_start3A_99 = tpu.memref_squeeze %dma_start3A_98 : memref<1x128xi32, #tpu.memory_space<vmem>> -> memref<128xi32, #tpu.memory_space<vmem>>
      %dma_start3A_100 = arith.constant 0 : i32
      %dma_start3A_101 = arith.constant 0 : i32
      %dma_start3A_102 = tpu.memref_slice %arg11[%dma_start3A_100, %dma_start3A_101] : memref<10112x128xf32, #tpu.memory_space<vmem_shared>> -> memref<10112x128xf32, #tpu.memory_space<vmem_shared>>
      tpu.enqueue_indirect_dma source(%arg9 : memref<128x128xf32, #tpu.memory_space<vmem>>) target(%dma_start3A_102 : memref<10112x128xf32, #tpu.memory_space<vmem_shared>>) offsets(%dma_start3A_99 : memref<128xi32, #tpu.memory_space<vmem>>) semaphore(%arg14 : memref<!tpu.dma_semaphore, #tpu.memory_space<semaphore_mem>>) {add = true}
      %dma_wait3A_103 = arith.constant 4 : i32
      %dma_wait3A_104 = arith.constant 0 : i32
      %dma_wait3A_105 = tpu.memref_slice %arg8[%dma_wait3A_103, %dma_wait3A_104] : memref<8x128xi32, #tpu.memory_space<vmem>> -> memref<1x128xi32, #tpu.memory_space<vmem>>
      %dma_wait3A_106 = tpu.memref_squeeze %dma_wait3A_105 : memref<1x128xi32, #tpu.memory_space<vmem>> -> memref<128xi32, #tpu.memory_space<vmem>>
      %dma_wait3A_107 = arith.constant 0 : i32
      %dma_wait3A_108 = arith.constant 0 : i32
      %dma_wait3A_109 = tpu.memref_slice %arg11[%dma_wait3A_107, %dma_wait3A_108] : memref<10112x128xf32, #tpu.memory_space<vmem_shared>> -> memref<10112x128xf32, #tpu.memory_space<vmem_shared>>
      tpu.wait_indirect_dma semaphore(%arg14 : memref<!tpu.dma_semaphore, #tpu.memory_space<semaphore_mem>>) src(%arg9 : memref<128x128xf32, #tpu.memory_space<vmem>>) dst(%dma_wait3A_109 : memref<10112x128xf32, #tpu.memory_space<vmem_shared>>)
      %dma_start3A_110 = arith.constant 4 : i32
      %dma_start3A_111 = arith.constant 0 : i32
      %dma_start3A_112 = tpu.memref_slice %arg7[%dma_start3A_110, %dma_start3A_111] : memref<8x128xi32, #tpu.memory_space<vmem>> -> memref<1x128xi32, #tpu.memory_space<vmem>>
      %dma_start3A_113 = tpu.memref_squeeze %dma_start3A_112 : memref<1x128xi32, #tpu.memory_space<vmem>> -> memref<128xi32, #tpu.memory_space<vmem>>
      %dma_start3A_114 = arith.constant 0 : i32
      %dma_start3A_115 = arith.constant 0 : i32
      %dma_start3A_116 = tpu.memref_slice %arg4[%dma_start3A_114, %dma_start3A_115] : memref<20000x128xf32, #tpu.memory_space<hbm>> -> memref<20000x128xf32, #tpu.memory_space<hbm>>
      tpu.enqueue_indirect_dma source(%dma_start3A_116 : memref<20000x128xf32, #tpu.memory_space<hbm>>) target(%arg9 : memref<128x128xf32, #tpu.memory_space<vmem>>) offsets(%dma_start3A_113 : memref<128xi32, #tpu.memory_space<vmem>>) semaphore(%arg12 : memref<!tpu.dma_semaphore, #tpu.memory_space<semaphore_mem>>)
      %dma_wait3A_117 = arith.constant 3 : i32
      %dma_wait3A_118 = arith.constant 0 : i32
      %dma_wait3A_119 = tpu.memref_slice %arg7[%dma_wait3A_117, %dma_wait3A_118] : memref<8x128xi32, #tpu.memory_space<vmem>> -> memref<1x128xi32, #tpu.memory_space<vmem>>
      %dma_wait3A_120 = tpu.memref_squeeze %dma_wait3A_119 : memref<1x128xi32, #tpu.memory_space<vmem>> -> memref<128xi32, #tpu.memory_space<vmem>>
      %dma_wait3A_121 = arith.constant 0 : i32
      %dma_wait3A_122 = arith.constant 0 : i32
      %dma_wait3A_123 = tpu.memref_slice %arg4[%dma_wait3A_121, %dma_wait3A_122] : memref<20000x128xf32, #tpu.memory_space<hbm>> -> memref<20000x128xf32, #tpu.memory_space<hbm>>
      tpu.wait_indirect_dma semaphore(%arg13 : memref<!tpu.dma_semaphore, #tpu.memory_space<semaphore_mem>>) src(%dma_wait3A_123 : memref<20000x128xf32, #tpu.memory_space<hbm>>) dst(%arg10 : memref<128x128xf32, #tpu.memory_space<vmem>>)
      %dma_start3A_124 = arith.constant 3 : i32
      %dma_start3A_125 = arith.constant 0 : i32
      %dma_start3A_126 = tpu.memref_slice %arg8[%dma_start3A_124, %dma_start3A_125] : memref<8x128xi32, #tpu.memory_space<vmem>> -> memref<1x128xi32, #tpu.memory_space<vmem>>
      %dma_start3A_127 = tpu.memref_squeeze %dma_start3A_126 : memref<1x128xi32, #tpu.memory_space<vmem>> -> memref<128xi32, #tpu.memory_space<vmem>>
      %dma_start3A_128 = arith.constant 0 : i32
      %dma_start3A_129 = arith.constant 0 : i32
      %dma_start3A_130 = tpu.memref_slice %arg11[%dma_start3A_128, %dma_start3A_129] : memref<10112x128xf32, #tpu.memory_space<vmem_shared>> -> memref<10112x128xf32, #tpu.memory_space<vmem_shared>>
      tpu.enqueue_indirect_dma source(%arg10 : memref<128x128xf32, #tpu.memory_space<vmem>>) target(%dma_start3A_130 : memref<10112x128xf32, #tpu.memory_space<vmem_shared>>) offsets(%dma_start3A_127 : memref<128xi32, #tpu.memory_space<vmem>>) semaphore(%arg15 : memref<!tpu.dma_semaphore, #tpu.memory_space<semaphore_mem>>) {add = true}
      %dma_wait3A_131 = arith.constant 5 : i32
      %dma_wait3A_132 = arith.constant 0 : i32
      %dma_wait3A_133 = tpu.memref_slice %arg8[%dma_wait3A_131, %dma_wait3A_132] : memref<8x128xi32, #tpu.memory_space<vmem>> -> memref<1x128xi32, #tpu.memory_space<vmem>>
      %dma_wait3A_134 = tpu.memref_squeeze %dma_wait3A_133 : memref<1x128xi32, #tpu.memory_space<vmem>> -> memref<128xi32, #tpu.memory_space<vmem>>
      %dma_wait3A_135 = arith.constant 0 : i32
      %dma_wait3A_136 = arith.constant 0 : i32
      %dma_wait3A_137 = tpu.memref_slice %arg11[%dma_wait3A_135, %dma_wait3A_136] : memref<10112x128xf32, #tpu.memory_space<vmem_shared>> -> memref<10112x128xf32, #tpu.memory_space<vmem_shared>>
      tpu.wait_indirect_dma semaphore(%arg15 : memref<!tpu.dma_semaphore, #tpu.memory_space<semaphore_mem>>) src(%arg10 : memref<128x128xf32, #tpu.memory_space<vmem>>) dst(%dma_wait3A_137 : memref<10112x128xf32, #tpu.memory_space<vmem_shared>>)
      %dma_start3A_138 = arith.constant 5 : i32
      %dma_start3A_139 = arith.constant 0 : i32
      %dma_start3A_140 = tpu.memref_slice %arg7[%dma_start3A_138, %dma_start3A_139] : memref<8x128xi32, #tpu.memory_space<vmem>> -> memref<1x128xi32, #tpu.memory_space<vmem>>
      %dma_start3A_141 = tpu.memref_squeeze %dma_start3A_140 : memref<1x128xi32, #tpu.memory_space<vmem>> -> memref<128xi32, #tpu.memory_space<vmem>>
      %dma_start3A_142 = arith.constant 0 : i32
      %dma_start3A_143 = arith.constant 0 : i32
      %dma_start3A_144 = tpu.memref_slice %arg4[%dma_start3A_142, %dma_start3A_143] : memref<20000x128xf32, #tpu.memory_space<hbm>> -> memref<20000x128xf32, #tpu.memory_space<hbm>>
      tpu.enqueue_indirect_dma source(%dma_start3A_144 : memref<20000x128xf32, #tpu.memory_space<hbm>>) target(%arg10 : memref<128x128xf32, #tpu.memory_space<vmem>>) offsets(%dma_start3A_141 : memref<128xi32, #tpu.memory_space<vmem>>) semaphore(%arg13 : memref<!tpu.dma_semaphore, #tpu.memory_space<semaphore_mem>>)
      %dma_wait3A_145 = arith.constant 4 : i32
      %dma_wait3A_146 = arith.constant 0 : i32
      %dma_wait3A_147 = tpu.memref_slice %arg7[%dma_wait3A_145, %dma_wait3A_146] : memref<8x128xi32, #tpu.memory_space<vmem>> -> memref<1x128xi32, #tpu.memory_space<vmem>>
      %dma_wait3A_148 = tpu.memref_squeeze %dma_wait3A_147 : memref<1x128xi32, #tpu.memory_space<vmem>> -> memref<128xi32, #tpu.memory_space<vmem>>
      %dma_wait3A_149 = arith.constant 0 : i32
      %dma_wait3A_150 = arith.constant 0 : i32
      %dma_wait3A_151 = tpu.memref_slice %arg4[%dma_wait3A_149, %dma_wait3A_150] : memref<20000x128xf32, #tpu.memory_space<hbm>> -> memref<20000x128xf32, #tpu.memory_space<hbm>>
      tpu.wait_indirect_dma semaphore(%arg12 : memref<!tpu.dma_semaphore, #tpu.memory_space<semaphore_mem>>) src(%dma_wait3A_151 : memref<20000x128xf32, #tpu.memory_space<hbm>>) dst(%arg9 : memref<128x128xf32, #tpu.memory_space<vmem>>)
      %dma_start3A_152 = arith.constant 4 : i32
      %dma_start3A_153 = arith.constant 0 : i32
      %dma_start3A_154 = tpu.memref_slice %arg8[%dma_start3A_152, %dma_start3A_153] : memref<8x128xi32, #tpu.memory_space<vmem>> -> memref<1x128xi32, #tpu.memory_space<vmem>>
      %dma_start3A_155 = tpu.memref_squeeze %dma_start3A_154 : memref<1x128xi32, #tpu.memory_space<vmem>> -> memref<128xi32, #tpu.memory_space<vmem>>
      %dma_start3A_156 = arith.constant 0 : i32
      %dma_start3A_157 = arith.constant 0 : i32
      %dma_start3A_158 = tpu.memref_slice %arg11[%dma_start3A_156, %dma_start3A_157] : memref<10112x128xf32, #tpu.memory_space<vmem_shared>> -> memref<10112x128xf32, #tpu.memory_space<vmem_shared>>
      tpu.enqueue_indirect_dma source(%arg9 : memref<128x128xf32, #tpu.memory_space<vmem>>) target(%dma_start3A_158 : memref<10112x128xf32, #tpu.memory_space<vmem_shared>>) offsets(%dma_start3A_155 : memref<128xi32, #tpu.memory_space<vmem>>) semaphore(%arg14 : memref<!tpu.dma_semaphore, #tpu.memory_space<semaphore_mem>>) {add = true}
      %dma_wait3A_159 = arith.constant 6 : i32
      %dma_wait3A_160 = arith.constant 0 : i32
      %dma_wait3A_161 = tpu.memref_slice %arg8[%dma_wait3A_159, %dma_wait3A_160] : memref<8x128xi32, #tpu.memory_space<vmem>> -> memref<1x128xi32, #tpu.memory_space<vmem>>
      %dma_wait3A_162 = tpu.memref_squeeze %dma_wait3A_161 : memref<1x128xi32, #tpu.memory_space<vmem>> -> memref<128xi32, #tpu.memory_space<vmem>>
      %dma_wait3A_163 = arith.constant 0 : i32
      %dma_wait3A_164 = arith.constant 0 : i32
      %dma_wait3A_165 = tpu.memref_slice %arg11[%dma_wait3A_163, %dma_wait3A_164] : memref<10112x128xf32, #tpu.memory_space<vmem_shared>> -> memref<10112x128xf32, #tpu.memory_space<vmem_shared>>
      tpu.wait_indirect_dma semaphore(%arg14 : memref<!tpu.dma_semaphore, #tpu.memory_space<semaphore_mem>>) src(%arg9 : memref<128x128xf32, #tpu.memory_space<vmem>>) dst(%dma_wait3A_165 : memref<10112x128xf32, #tpu.memory_space<vmem_shared>>)
      %dma_start3A_166 = arith.constant 6 : i32
      %dma_start3A_167 = arith.constant 0 : i32
      %dma_start3A_168 = tpu.memref_slice %arg7[%dma_start3A_166, %dma_start3A_167] : memref<8x128xi32, #tpu.memory_space<vmem>> -> memref<1x128xi32, #tpu.memory_space<vmem>>
      %dma_start3A_169 = tpu.memref_squeeze %dma_start3A_168 : memref<1x128xi32, #tpu.memory_space<vmem>> -> memref<128xi32, #tpu.memory_space<vmem>>
      %dma_start3A_170 = arith.constant 0 : i32
      %dma_start3A_171 = arith.constant 0 : i32
      %dma_start3A_172 = tpu.memref_slice %arg4[%dma_start3A_170, %dma_start3A_171] : memref<20000x128xf32, #tpu.memory_space<hbm>> -> memref<20000x128xf32, #tpu.memory_space<hbm>>
      tpu.enqueue_indirect_dma source(%dma_start3A_172 : memref<20000x128xf32, #tpu.memory_space<hbm>>) target(%arg9 : memref<128x128xf32, #tpu.memory_space<vmem>>) offsets(%dma_start3A_169 : memref<128xi32, #tpu.memory_space<vmem>>) semaphore(%arg12 : memref<!tpu.dma_semaphore, #tpu.memory_space<semaphore_mem>>)
      %dma_wait3A_173 = arith.constant 5 : i32
      %dma_wait3A_174 = arith.constant 0 : i32
      %dma_wait3A_175 = tpu.memref_slice %arg7[%dma_wait3A_173, %dma_wait3A_174] : memref<8x128xi32, #tpu.memory_space<vmem>> -> memref<1x128xi32, #tpu.memory_space<vmem>>
      %dma_wait3A_176 = tpu.memref_squeeze %dma_wait3A_175 : memref<1x128xi32, #tpu.memory_space<vmem>> -> memref<128xi32, #tpu.memory_space<vmem>>
      %dma_wait3A_177 = arith.constant 0 : i32
      %dma_wait3A_178 = arith.constant 0 : i32
      %dma_wait3A_179 = tpu.memref_slice %arg4[%dma_wait3A_177, %dma_wait3A_178] : memref<20000x128xf32, #tpu.memory_space<hbm>> -> memref<20000x128xf32, #tpu.memory_space<hbm>>
      tpu.wait_indirect_dma semaphore(%arg13 : memref<!tpu.dma_semaphore, #tpu.memory_space<semaphore_mem>>) src(%dma_wait3A_179 : memref<20000x128xf32, #tpu.memory_space<hbm>>) dst(%arg10 : memref<128x128xf32, #tpu.memory_space<vmem>>)
      %dma_start3A_180 = arith.constant 5 : i32
      %dma_start3A_181 = arith.constant 0 : i32
      %dma_start3A_182 = tpu.memref_slice %arg8[%dma_start3A_180, %dma_start3A_181] : memref<8x128xi32, #tpu.memory_space<vmem>> -> memref<1x128xi32, #tpu.memory_space<vmem>>
      %dma_start3A_183 = tpu.memref_squeeze %dma_start3A_182 : memref<1x128xi32, #tpu.memory_space<vmem>> -> memref<128xi32, #tpu.memory_space<vmem>>
      %dma_start3A_184 = arith.constant 0 : i32
      %dma_start3A_185 = arith.constant 0 : i32
      %dma_start3A_186 = tpu.memref_slice %arg11[%dma_start3A_184, %dma_start3A_185] : memref<10112x128xf32, #tpu.memory_space<vmem_shared>> -> memref<10112x128xf32, #tpu.memory_space<vmem_shared>>
      tpu.enqueue_indirect_dma source(%arg10 : memref<128x128xf32, #tpu.memory_space<vmem>>) target(%dma_start3A_186 : memref<10112x128xf32, #tpu.memory_space<vmem_shared>>) offsets(%dma_start3A_183 : memref<128xi32, #tpu.memory_space<vmem>>) semaphore(%arg15 : memref<!tpu.dma_semaphore, #tpu.memory_space<semaphore_mem>>) {add = true}
      %dma_wait3A_187 = arith.constant 7 : i32
      %dma_wait3A_188 = arith.constant 0 : i32
      %dma_wait3A_189 = tpu.memref_slice %arg8[%dma_wait3A_187, %dma_wait3A_188] : memref<8x128xi32, #tpu.memory_space<vmem>> -> memref<1x128xi32, #tpu.memory_space<vmem>>
      %dma_wait3A_190 = tpu.memref_squeeze %dma_wait3A_189 : memref<1x128xi32, #tpu.memory_space<vmem>> -> memref<128xi32, #tpu.memory_space<vmem>>
      %dma_wait3A_191 = arith.constant 0 : i32
      %dma_wait3A_192 = arith.constant 0 : i32
      %dma_wait3A_193 = tpu.memref_slice %arg11[%dma_wait3A_191, %dma_wait3A_192] : memref<10112x128xf32, #tpu.memory_space<vmem_shared>> -> memref<10112x128xf32, #tpu.memory_space<vmem_shared>>
      tpu.wait_indirect_dma semaphore(%arg15 : memref<!tpu.dma_semaphore, #tpu.memory_space<semaphore_mem>>) src(%arg10 : memref<128x128xf32, #tpu.memory_space<vmem>>) dst(%dma_wait3A_193 : memref<10112x128xf32, #tpu.memory_space<vmem_shared>>)
      %dma_start3A_194 = arith.constant 7 : i32
      %dma_start3A_195 = arith.constant 0 : i32
      %dma_start3A_196 = tpu.memref_slice %arg7[%dma_start3A_194, %dma_start3A_195] : memref<8x128xi32, #tpu.memory_space<vmem>> -> memref<1x128xi32, #tpu.memory_space<vmem>>
      %dma_start3A_197 = tpu.memref_squeeze %dma_start3A_196 : memref<1x128xi32, #tpu.memory_space<vmem>> -> memref<128xi32, #tpu.memory_space<vmem>>
      %dma_start3A_198 = arith.constant 0 : i32
      %dma_start3A_199 = arith.constant 0 : i32
      %dma_start3A_200 = tpu.memref_slice %arg4[%dma_start3A_198, %dma_start3A_199] : memref<20000x128xf32, #tpu.memory_space<hbm>> -> memref<20000x128xf32, #tpu.memory_space<hbm>>
      tpu.enqueue_indirect_dma source(%dma_start3A_200 : memref<20000x128xf32, #tpu.memory_space<hbm>>) target(%arg10 : memref<128x128xf32, #tpu.memory_space<vmem>>) offsets(%dma_start3A_197 : memref<128xi32, #tpu.memory_space<vmem>>) semaphore(%arg13 : memref<!tpu.dma_semaphore, #tpu.memory_space<semaphore_mem>>)
      %dma_wait3A_201 = arith.constant 6 : i32
      %dma_wait3A_202 = arith.constant 0 : i32
      %dma_wait3A_203 = tpu.memref_slice %arg7[%dma_wait3A_201, %dma_wait3A_202] : memref<8x128xi32, #tpu.memory_space<vmem>> -> memref<1x128xi32, #tpu.memory_space<vmem>>
      %dma_wait3A_204 = tpu.memref_squeeze %dma_wait3A_203 : memref<1x128xi32, #tpu.memory_space<vmem>> -> memref<128xi32, #tpu.memory_space<vmem>>
      %dma_wait3A_205 = arith.constant 0 : i32
      %dma_wait3A_206 = arith.constant 0 : i32
      %dma_wait3A_207 = tpu.memref_slice %arg4[%dma_wait3A_205, %dma_wait3A_206] : memref<20000x128xf32, #tpu.memory_space<hbm>> -> memref<20000x128xf32, #tpu.memory_space<hbm>>
      tpu.wait_indirect_dma semaphore(%arg12 : memref<!tpu.dma_semaphore, #tpu.memory_space<semaphore_mem>>) src(%dma_wait3A_207 : memref<20000x128xf32, #tpu.memory_space<hbm>>) dst(%arg9 : memref<128x128xf32, #tpu.memory_space<vmem>>)
      %dma_start3A_208 = arith.constant 6 : i32
      %dma_start3A_209 = arith.constant 0 : i32
      %dma_start3A_210 = tpu.memref_slice %arg8[%dma_start3A_208, %dma_start3A_209] : memref<8x128xi32, #tpu.memory_space<vmem>> -> memref<1x128xi32, #tpu.memory_space<vmem>>
      %dma_start3A_211 = tpu.memref_squeeze %dma_start3A_210 : memref<1x128xi32, #tpu.memory_space<vmem>> -> memref<128xi32, #tpu.memory_space<vmem>>
      %dma_start3A_212 = arith.constant 0 : i32
      %dma_start3A_213 = arith.constant 0 : i32
      %dma_start3A_214 = tpu.memref_slice %arg11[%dma_start3A_212, %dma_start3A_213] : memref<10112x128xf32, #tpu.memory_space<vmem_shared>> -> memref<10112x128xf32, #tpu.memory_space<vmem_shared>>
      tpu.enqueue_indirect_dma source(%arg9 : memref<128x128xf32, #tpu.memory_space<vmem>>) target(%dma_start3A_214 : memref<10112x128xf32, #tpu.memory_space<vmem_shared>>) offsets(%dma_start3A_211 : memref<128xi32, #tpu.memory_space<vmem>>) semaphore(%arg14 : memref<!tpu.dma_semaphore, #tpu.memory_space<semaphore_mem>>) {add = true}
      %dma_wait3A_215 = arith.constant 7 : i32
      %dma_wait3A_216 = arith.constant 0 : i32
      %dma_wait3A_217 = tpu.memref_slice %arg7[%dma_wait3A_215, %dma_wait3A_216] : memref<8x128xi32, #tpu.memory_space<vmem>> -> memref<1x128xi32, #tpu.memory_space<vmem>>
      %dma_wait3A_218 = tpu.memref_squeeze %dma_wait3A_217 : memref<1x128xi32, #tpu.memory_space<vmem>> -> memref<128xi32, #tpu.memory_space<vmem>>
      %dma_wait3A_219 = arith.constant 0 : i32
      %dma_wait3A_220 = arith.constant 0 : i32
      %dma_wait3A_221 = tpu.memref_slice %arg4[%dma_wait3A_219, %dma_wait3A_220] : memref<20000x128xf32, #tpu.memory_space<hbm>> -> memref<20000x128xf32, #tpu.memory_space<hbm>>
      tpu.wait_indirect_dma semaphore(%arg13 : memref<!tpu.dma_semaphore, #tpu.memory_space<semaphore_mem>>) src(%dma_wait3A_221 : memref<20000x128xf32, #tpu.memory_space<hbm>>) dst(%arg10 : memref<128x128xf32, #tpu.memory_space<vmem>>)
      %dma_start3A_222 = arith.constant 7 : i32
      %dma_start3A_223 = arith.constant 0 : i32
      %dma_start3A_224 = tpu.memref_slice %arg8[%dma_start3A_222, %dma_start3A_223] : memref<8x128xi32, #tpu.memory_space<vmem>> -> memref<1x128xi32, #tpu.memory_space<vmem>>
      %dma_start3A_225 = tpu.memref_squeeze %dma_start3A_224 : memref<1x128xi32, #tpu.memory_space<vmem>> -> memref<128xi32, #tpu.memory_space<vmem>>
      %dma_start3A_226 = arith.constant 0 : i32
      %dma_start3A_227 = arith.constant 0 : i32
      %dma_start3A_228 = tpu.memref_slice %arg11[%dma_start3A_226, %dma_start3A_227] : memref<10112x128xf32, #tpu.memory_space<vmem_shared>> -> memref<10112x128xf32, #tpu.memory_space<vmem_shared>>
      tpu.enqueue_indirect_dma source(%arg10 : memref<128x128xf32, #tpu.memory_space<vmem>>) target(%dma_start3A_228 : memref<10112x128xf32, #tpu.memory_space<vmem_shared>>) offsets(%dma_start3A_225 : memref<128xi32, #tpu.memory_space<vmem>>) semaphore(%arg15 : memref<!tpu.dma_semaphore, #tpu.memory_space<semaphore_mem>>) {add = true}
      %dma_wait3A_229 = arith.constant 0 : i32
      %dma_wait3A_230 = arith.constant 0 : i32
      %dma_wait3A_231 = tpu.memref_slice %arg8[%dma_wait3A_229, %dma_wait3A_230] : memref<8x128xi32, #tpu.memory_space<vmem>> -> memref<1x128xi32, #tpu.memory_space<vmem>>
      %dma_wait3A_232 = tpu.memref_squeeze %dma_wait3A_231 : memref<1x128xi32, #tpu.memory_space<vmem>> -> memref<128xi32, #tpu.memory_space<vmem>>
      %dma_wait3A_233 = arith.constant 0 : i32
      %dma_wait3A_234 = arith.constant 0 : i32
      %dma_wait3A_235 = tpu.memref_slice %arg11[%dma_wait3A_233, %dma_wait3A_234] : memref<10112x128xf32, #tpu.memory_space<vmem_shared>> -> memref<10112x128xf32, #tpu.memory_space<vmem_shared>>
      tpu.wait_indirect_dma semaphore(%arg14 : memref<!tpu.dma_semaphore, #tpu.memory_space<semaphore_mem>>) src(%arg9 : memref<128x128xf32, #tpu.memory_space<vmem>>) dst(%dma_wait3A_235 : memref<10112x128xf32, #tpu.memory_space<vmem_shared>>)
      %dma_wait3A_236 = arith.constant 0 : i32
      %dma_wait3A_237 = arith.constant 0 : i32
      %dma_wait3A_238 = tpu.memref_slice %arg8[%dma_wait3A_236, %dma_wait3A_237] : memref<8x128xi32, #tpu.memory_space<vmem>> -> memref<1x128xi32, #tpu.memory_space<vmem>>
      %dma_wait3A_239 = tpu.memref_squeeze %dma_wait3A_238 : memref<1x128xi32, #tpu.memory_space<vmem>> -> memref<128xi32, #tpu.memory_space<vmem>>
      %dma_wait3A_240 = arith.constant 0 : i32
      %dma_wait3A_241 = arith.constant 0 : i32
      %dma_wait3A_242 = tpu.memref_slice %arg11[%dma_wait3A_240, %dma_wait3A_241] : memref<10112x128xf32, #tpu.memory_space<vmem_shared>> -> memref<10112x128xf32, #tpu.memory_space<vmem_shared>>
      tpu.wait_indirect_dma semaphore(%arg15 : memref<!tpu.dma_semaphore, #tpu.memory_space<semaphore_mem>>) src(%arg10 : memref<128x128xf32, #tpu.memory_space<vmem>>) dst(%dma_wait3A_242 : memref<10112x128xf32, #tpu.memory_space<vmem_shared>>)
    }
    %scan3A_8 = arith.constant 10 : i32
    %barrier3A_9 = arith.constant 0 : index
    tpu.barrier barrier_id(%barrier3A_9)
    %mul3A_10 = arith.constant 632 : i32
    %mul3A_11 = arith.muli %arg1, %mul3A_10 : i32
    "tpu.region"() ({
      %run_scoped3A = tpu.sem_alloc : memref<!tpu.dma_semaphore, #tpu.memory_space<semaphore_mem>>
      %dma_start3A = arith.constant 0 : i32
      %dma_start3A_12 = arith.constant 0 : i32
      %dma_start3A_13 = tpu.memref_slice %arg6[%add3A, %dma_start3A, %dma_start3A_12] : memref<32x632x128xf32, #tpu.memory_space<hbm>> -> memref<1x632x128xf32, #tpu.memory_space<hbm>>
      %dma_start3A_14 = tpu.memref_squeeze %dma_start3A_13 : memref<1x632x128xf32, #tpu.memory_space<hbm>> -> memref<632x128xf32, #tpu.memory_space<hbm>>
      %dma_start3A_15 = arith.constant 0 : i32
      %dma_start3A_16 = tpu.memref_slice %arg11[%mul3A_11, %dma_start3A_15] : memref<10112x128xf32, #tpu.memory_space<vmem_shared>> -> memref<632x128xf32, #tpu.memory_space<vmem_shared>>
      tpu.enqueue_dma source(%dma_start3A_16 : memref<632x128xf32, #tpu.memory_space<vmem_shared>>) target(%dma_start3A_14 : memref<632x128xf32, #tpu.memory_space<hbm>>) target_semaphore(%run_scoped3A : memref<!tpu.dma_semaphore, #tpu.memory_space<semaphore_mem>>)
      %dma_wait3A = arith.constant 0 : i32
      %dma_wait3A_17 = arith.constant 0 : i32
      %dma_wait3A_18 = tpu.memref_slice %arg6[%add3A, %dma_wait3A, %dma_wait3A_17] : memref<32x632x128xf32, #tpu.memory_space<hbm>> -> memref<1x632x128xf32, #tpu.memory_space<hbm>>
      %dma_wait3A_19 = tpu.memref_squeeze %dma_wait3A_18 : memref<1x632x128xf32, #tpu.memory_space<hbm>> -> memref<632x128xf32, #tpu.memory_space<hbm>>
      %dma_wait3A_20 = arith.constant 0 : i32
      %dma_wait3A_21 = tpu.memref_slice %arg11[%mul3A_11, %dma_wait3A_20] : memref<10112x128xf32, #tpu.memory_space<vmem_shared>> -> memref<632x128xf32, #tpu.memory_space<vmem_shared>>
      tpu.wait_dma2 semaphore(%run_scoped3A : memref<!tpu.dma_semaphore, #tpu.memory_space<semaphore_mem>>) src(%dma_wait3A_21 : memref<632x128xf32, #tpu.memory_space<vmem_shared>>) dst(%dma_wait3A_19 : memref<632x128xf32, #tpu.memory_space<hbm>>)
      tpu.yield
    }) : () -> ()
    return
  }
}

module attributes {stable_mosaic.version = 14 : i64} {
  func.func @_scale_body(%arg0: i32, %arg1: memref<1000x256xf32, #tpu.memory_space<vmem>>, %arg2: memref<256x256xf32, #tpu.memory_space<vmem>>, %arg3: memref<1000x1xf32, #tpu.memory_space<vmem>>, %arg4: memref<1000x1xf32, #tpu.memory_space<vmem>>, %arg5: memref<1000x256xf32, #tpu.memory_space<vmem>>, %arg6: memref<1000x256xf32, #tpu.memory_space<vmem>>, %arg7: memref<1000x1xf32, #tpu.memory_space<vmem>>) attributes {dimension_semantics = [#tpu.dimension_semantics<arbitrary>], iteration_bounds = array<i64: 10>, scalar_prefetch = 0 : i64, scratch_operands = 0 : i64, tpu.core_type = #tpu.core_type<tc>, window_params = [{transform_indices = @transform_0, window_bounds = array<i64: 1000, 256>}, {pipeline_mode = #tpu.pipeline_mode<synchronous>, transform_indices = @transform_1, window_bounds = array<i64: 256, 256>}, {transform_indices = @transform_2, window_bounds = array<i64: 1000, 1>}, {transform_indices = @transform_3, window_bounds = array<i64: 1000, 1>}, {transform_indices = @transform_4, window_bounds = array<i64: 1000, 256>}, {transform_indices = @transform_5, window_bounds = array<i64: 1000, 256>}, {transform_indices = @transform_6, window_bounds = array<i64: 1000, 1>}]} {
    %get3A = arith.constant 0 : index
    %get3A_0 = arith.constant 0 : index
    %get3A_1 = vector.load %arg1[%get3A, %get3A_0] : memref<1000x256xf32, #tpu.memory_space<vmem>>, vector<1000x256xf32>
    %get3A_2 = arith.constant 0 : index
    %get3A_3 = arith.constant 0 : index
    %get3A_4 = vector.load %arg2[%get3A_2, %get3A_3] : memref<256x256xf32, #tpu.memory_space<vmem>>, vector<256x256xf32>
    %dot_general3A = arith.constant dense<0.000000e+00> : vector<1000x256xf32>
    %dot_general3A_5 = tpu.matmul %get3A_1, %get3A_4, %dot_general3A {dimension_numbers = #tpu.dot_dimension_numbers<[1], [0], [0], [1], [0, 0, 1, 1], [], []>, transpose_lhs_hint = false} : vector<1000x256xf32>, vector<256x256xf32>, vector<1000x256xf32> -> vector<1000x256xf32>
    %get3A_6 = arith.constant 0 : index
    %get3A_7 = arith.constant 0 : index
    %get3A_8 = vector.load %arg3[%get3A_6, %get3A_7] : memref<1000x1xf32, #tpu.memory_space<vmem>>, vector<1000x1xf32>
    %get3A_9 = arith.constant 0 : index
    %get3A_10 = arith.constant 0 : index
    %get3A_11 = vector.load %arg4[%get3A_9, %get3A_10] : memref<1000x1xf32, #tpu.memory_space<vmem>>, vector<1000x1xf32>
    %add3A = arith.addf %get3A_8, %get3A_11 : vector<1000x1xf32>
    %add3A_12 = arith.constant 1.000000e+00 : f32
    %add3A_13 = vector.broadcast %add3A_12 : f32 to vector<1000x1xf32>
    %add3A_14 = arith.addf %add3A, %add3A_13 : vector<1000x1xf32>
    %rsqrt3A = math.rsqrt %add3A_14 : vector<1000x1xf32>
    %mul3A = vector.broadcast %rsqrt3A : vector<1000x1xf32> to vector<1000x256xf32>
    %mul3A_15 = arith.mulf %dot_general3A_5, %mul3A : vector<1000x256xf32>
    %swap3A = arith.constant 0 : index
    %swap3A_16 = arith.constant 0 : index
    %swap3A_17 = vector.load %arg5[%swap3A, %swap3A_16] : memref<1000x256xf32, #tpu.memory_space<vmem>>, vector<1000x256xf32>
    tpu.vector_store %arg5[%swap3A, %swap3A_16], %mul3A_15 {strides = array<i32>} : memref<1000x256xf32, #tpu.memory_space<vmem>>, vector<1000x256xf32>,
    %mul3A_18 = vector.broadcast %rsqrt3A : vector<1000x1xf32> to vector<1000x256xf32>
    %mul3A_19 = arith.mulf %mul3A_15, %mul3A_18 : vector<1000x256xf32>
    %swap3A_20 = arith.constant 0 : index
    %swap3A_21 = arith.constant 0 : index
    %swap3A_22 = vector.load %arg6[%swap3A_20, %swap3A_21] : memref<1000x256xf32, #tpu.memory_space<vmem>>, vector<1000x256xf32>
    tpu.vector_store %arg6[%swap3A_20, %swap3A_21], %mul3A_19 {strides = array<i32>} : memref<1000x256xf32, #tpu.memory_space<vmem>>, vector<1000x256xf32>,
    %swap3A_23 = arith.constant 0 : index
    %swap3A_24 = arith.constant 0 : index
    %swap3A_25 = vector.load %arg7[%swap3A_23, %swap3A_24] : memref<1000x1xf32, #tpu.memory_space<vmem>>, vector<1000x1xf32>
    tpu.vector_store %arg7[%swap3A_23, %swap3A_24], %rsqrt3A {strides = array<i32>} : memref<1000x1xf32, #tpu.memory_space<vmem>>, vector<1000x1xf32>,
    return
  }
  func.func @transform_0(%arg0: i32) -> (i32, i32) {
    %c0_i32 = arith.constant 0 : i32
    %c0_i32_0 = arith.constant 0 : i32
    return %arg0, %c0_i32 : i32, i32
  }
  func.func @transform_1(%arg0: i32) -> (i32, i32) {
    %c0_i32 = arith.constant 0 : i32
    %c0_i32_0 = arith.constant 0 : i32
    %c0_i32_1 = arith.constant 0 : i32
    return %c0_i32, %c0_i32_0 : i32, i32
  }
  func.func @transform_2(%arg0: i32) -> (i32, i32) {
    %c0_i32 = arith.constant 0 : i32
    %c0_i32_0 = arith.constant 0 : i32
    return %arg0, %c0_i32 : i32, i32
  }
  func.func @transform_3(%arg0: i32) -> (i32, i32) {
    %c0_i32 = arith.constant 0 : i32
    %c0_i32_0 = arith.constant 0 : i32
    return %arg0, %c0_i32 : i32, i32
  }
  func.func @transform_4(%arg0: i32) -> (i32, i32) {
    %c0_i32 = arith.constant 0 : i32
    %c0_i32_0 = arith.constant 0 : i32
    return %arg0, %c0_i32 : i32, i32
  }
  func.func @transform_5(%arg0: i32) -> (i32, i32) {
    %c0_i32 = arith.constant 0 : i32
    %c0_i32_0 = arith.constant 0 : i32
    return %arg0, %c0_i32 : i32, i32
  }
  func.func @transform_6(%arg0: i32) -> (i32, i32) {
    %c0_i32 = arith.constant 0 : i32
    %c0_i32_0 = arith.constant 0 : i32
    return %arg0, %c0_i32 : i32, i32
  }
}

module attributes {stable_mosaic.version = 14 : i64} {
  func.func @_final_body(%arg0: i32, %arg1: memref<2x1000x128xf32, #tpu.memory_space<vmem>>, %arg2: memref<1000x256xf32, #tpu.memory_space<vmem>>, %arg3: memref<1000x1xf32, #tpu.memory_space<vmem>>, %arg4: memref<1x256xf32, #tpu.memory_space<vmem>>, %arg5: memref<1000x256xf32, #tpu.memory_space<vmem>>) attributes {dimension_semantics = [#tpu.dimension_semantics<arbitrary>], iteration_bounds = array<i64: 10>, scalar_prefetch = 0 : i64, scratch_operands = 0 : i64, tpu.core_type = #tpu.core_type<tc>, window_params = [{transform_indices = @transform_0, window_bounds = array<i64: 2, 1000, 128>}, {transform_indices = @transform_1, window_bounds = array<i64: 1000, 256>}, {transform_indices = @transform_2, window_bounds = array<i64: 1000, 1>}, {pipeline_mode = #tpu.pipeline_mode<synchronous>, transform_indices = @transform_3, window_bounds = array<i64: 1, 256>}, {transform_indices = @transform_4, window_bounds = array<i64: 1000, 256>}]} {
    %get3A = arith.constant 0 : index
    %get3A_0 = arith.constant 0 : index
    %get3A_1 = vector.load %arg3[%get3A, %get3A_0] : memref<1000x1xf32, #tpu.memory_space<vmem>>, vector<1000x1xf32>
    %get3A_2 = arith.constant 0 : index
    %get3A_3 = arith.constant 0 : index
    %get3A_4 = vector.load %arg2[%get3A_2, %get3A_3] : memref<1000x256xf32, #tpu.memory_space<vmem>>, vector<1000x256xf32>
    %get3A_5 = arith.constant 0 : index
    %get3A_6 = arith.constant 0 : index
    %get3A_7 = arith.constant 0 : index
    %get3A_8 = vector.load %arg1[%get3A_5, %get3A_6, %get3A_7] : memref<2x1000x128xf32, #tpu.memory_space<vmem>>, vector<1x1000x128xf32>
    %get3A_9 = vector.shape_cast %get3A_8 : vector<1x1000x128xf32> to vector<1000x128xf32>
    %mul3A = vector.broadcast %get3A_1 : vector<1000x1xf32> to vector<1000x128xf32>
    %mul3A_10 = arith.mulf %mul3A, %get3A_9 : vector<1000x128xf32>
    %slice3A = vector.extract_strided_slice %get3A_4 {offsets = [0, 0], sizes = [1000, 128], strides = [1, 1]} : vector<1000x256xf32> to vector<1000x128xf32>
    %add3A = arith.addf %mul3A_10, %slice3A : vector<1000x128xf32>
    %get3A_11 = arith.constant 0 : index
    %get3A_12 = arith.constant 0 : index
    %get3A_13 = vector.load %arg4[%get3A_11, %get3A_12] : memref<1x256xf32, #tpu.memory_space<vmem>>, vector<1x128xf32>
    %add3A_14 = vector.broadcast %get3A_13 : vector<1x128xf32> to vector<1000x128xf32>
    %add3A_15 = arith.addf %add3A, %add3A_14 : vector<1000x128xf32>
    %max3A = arith.constant 0.000000e+00 : f32
    %max3A_16 = vector.broadcast %max3A : f32 to vector<1000x128xf32>
    %max3A_17 = arith.maximumf %add3A_15, %max3A_16 : vector<1000x128xf32>
    %swap3A = arith.constant 0 : index
    %swap3A_18 = arith.constant 0 : index
    %swap3A_19 = vector.load %arg5[%swap3A, %swap3A_18] : memref<1000x256xf32, #tpu.memory_space<vmem>>, vector<1000x128xf32>
    tpu.vector_store %arg5[%swap3A, %swap3A_18], %max3A_17 {strides = array<i32>} : memref<1000x256xf32, #tpu.memory_space<vmem>>, vector<1000x128xf32>,
    %get3A_20 = arith.constant 1 : index
    %get3A_21 = arith.constant 0 : index
    %get3A_22 = arith.constant 0 : index
    %get3A_23 = vector.load %arg1[%get3A_20, %get3A_21, %get3A_22] : memref<2x1000x128xf32, #tpu.memory_space<vmem>>, vector<1x1000x128xf32>
    %get3A_24 = vector.shape_cast %get3A_23 : vector<1x1000x128xf32> to vector<1000x128xf32>
    %mul3A_25 = vector.broadcast %get3A_1 : vector<1000x1xf32> to vector<1000x128xf32>
    %mul3A_26 = arith.mulf %mul3A_25, %get3A_24 : vector<1000x128xf32>
    %slice3A_27 = vector.extract_strided_slice %get3A_4 {offsets = [0, 128], sizes = [1000, 128], strides = [1, 1]} : vector<1000x256xf32> to vector<1000x128xf32>
    %add3A_28 = arith.addf %mul3A_26, %slice3A_27 : vector<1000x128xf32>
    %get3A_29 = arith.constant 0 : index
    %get3A_30 = arith.constant 128 : index
    %get3A_31 = vector.load %arg4[%get3A_29, %get3A_30] : memref<1x256xf32, #tpu.memory_space<vmem>>, vector<1x128xf32>
    %add3A_32 = vector.broadcast %get3A_31 : vector<1x128xf32> to vector<1000x128xf32>
    %add3A_33 = arith.addf %add3A_28, %add3A_32 : vector<1000x128xf32>
    %max3A_34 = arith.constant 0.000000e+00 : f32
    %max3A_35 = vector.broadcast %max3A_34 : f32 to vector<1000x128xf32>
    %max3A_36 = arith.maximumf %add3A_33, %max3A_35 : vector<1000x128xf32>
    %swap3A_37 = arith.constant 0 : index
    %swap3A_38 = arith.constant 128 : index
    %swap3A_39 = vector.load %arg5[%swap3A_37, %swap3A_38] : memref<1000x256xf32, #tpu.memory_space<vmem>>, vector<1000x128xf32>
    tpu.vector_store %arg5[%swap3A_37, %swap3A_38], %max3A_36 {strides = array<i32>} : memref<1000x256xf32, #tpu.memory_space<vmem>>, vector<1000x128xf32>,
    return
  }
  func.func @transform_0(%arg0: i32) -> (i32, i32, i32) {
    %c0_i32 = arith.constant 0 : i32
    %c0_i32_0 = arith.constant 0 : i32
    %c0_i32_1 = arith.constant 0 : i32
    return %c0_i32, %arg0, %c0_i32_0 : i32, i32, i32
  }
  func.func @transform_1(%arg0: i32) -> (i32, i32) {
    %c0_i32 = arith.constant 0 : i32
    %c0_i32_0 = arith.constant 0 : i32
    return %arg0, %c0_i32 : i32, i32
  }
  func.func @transform_2(%arg0: i32) -> (i32, i32) {
    %c0_i32 = arith.constant 0 : i32
    %c0_i32_0 = arith.constant 0 : i32
    return %arg0, %c0_i32 : i32, i32
  }
  func.func @transform_3(%arg0: i32) -> (i32, i32) {
    %c0_i32 = arith.constant 0 : i32
    %c0_i32_0 = arith.constant 0 : i32
    %c0_i32_1 = arith.constant 0 : i32
    return %c0_i32, %c0_i32_0 : i32, i32
  }
  func.func @transform_4(%arg0: i32) -> (i32, i32) {
    %c0_i32 = arith.constant 0 : i32
    %c0_i32_0 = arith.constant 0 : i32
    return %arg0, %c0_i32 : i32, i32
  }
}

</mosaic_0001>

<sc_bundles>
// kernel: kernel.6.cloned.1.call-start
scs
__scs_entry_jumppad:
0x0: {  	(pc) =	sbr.rel $0x88, $3  }
0x1: {  	(tag) =	ssettag $0x0;
	lr =	simm.s32 $0x1  }
0x2: {  	[smem:$0x3F9D] =	sst lr;
	_ =	strace $0xD0000000  }
0x3: {  	_ = 	snop  }
0x4: {  	_ = 	snop  }
0x5: {  	_ = 	snop  }
0x6: {  	_ = 	snop  }
0x7: {  	_ = 	snop  }
__scs_overlays_trampoline_lowered:
0x8: {  	[smem:$0x3FAC] =	sst s0  }
0x9: {  	[smem:$0x3FAD] =	sst s1  }
0xa: {  	[smem:$0x3FAE] =	sst s2  }
0xb: {  	[smem:$0x3FAF] =	sst s3  }
0xc: {  	[smem:$0x3FB0] =	sst s4  }
0xd: {  	[smem:$0x3FB1] =	sst s5  }
0xe: {  	[smem:$0x3FB2] =	sst s6  }
0xf: {  	[smem:$0x3FB3] =	sst s7  }
0x10: {  	[smem:$0x3FB4] =	sst s8  }
0x11: {  	[smem:$0x3FB5] =	sst s9;
	s0 =	simm.s32 @!p0 $0x0  }
0x12: {  	s1 =	sld [smem:$0x3F9B];
	s0 =	simm.s32 @p0 $0x1  }
0x13: {  	[smem:$0x3FB6] =	sst s0;
	s0 =	simm.s32 @!p1 $0x0  }
0x14: {  	s2 =	sld [smem:$0x3F9A];
	s0 =	simm.s32 @p1 $0x1  }
0x15: {  	[smem:$0x3FB7] =	sst s0;
	s0 =	simm.s32 @!p2 $0x0  }
0x16: {  	s3 =	sld [smem:$0x3FDB];
	s0 =	simm.s32 @p2 $0x1  }
0x17: {  	s4 =	simm.s32 $0x1BF5;
	[smem:$0x3FB9] =	sst s0  }
0x18: {  	s0 =	sld [smem:$0x3F9C];
	_ =	swait.ge [sflag:s4], $0x0  }
0x19: {  	s7 =	sld [smem:$0x3F9D]  }
0x1a: {  	s8 =	sadd.s32 $0xFFFFE003, lr  }
0x1b: {  	s9 =	sadd.s32 $0xFFFFFEF7, lr;
	s5 =	simm.s32 $0xFFFFFFFF;
	p2 =	slt.u32 s8, $0xFFFFF086  }
0x1c: {  	p1 =	slt.u32 s9, $0xF7A;
	s5 =	simm.s32 @!p2 $0x0  }
0x1d: {  	s5 =	simm.s32 @p1 $0x1;
	p0 =	seq.s32 s7, s2  }
0x1e: {  	s7 =	smul.u32 @!p0 $0xF7A, s2;
	p2 =	seq.s32 @!p0 s5, $0x0  }
0x1f: {  	s9 =	smul.u32 $0xF7A, s1;
	s8 =	simm.s32 @!p0 $0x1BF5;
	p2 =	por !p2, p0  }
0x20: {  	[sflag:s8] =	ssyncset.s32 @!p0 $0xFFFFF086;
	s6 =	sadd.s32 @!p0 s3, s7;
	s7 =	simm.s32 @!p0 $0x108  }
0x21: {  	s3 =	sadd.s32 s3, s9;
	s6 =	sadd.s32 @!p0 $0x88, s6;
	s7 =	simm.s32 @p2 $0x1082  }
0x22: {  	[simem:s7], [sflag:s8] =	dma.local @!p0 [hbm:s6], $0xF7A  }
0x23: {  	s9 =	sor.u32 $0xD0000000, s2;
	s6 =	simm.s32 $0x108;
	_ =	swait.ge @!p0 [sflag:s8], $0x0  }
0x24: {  	s3 =	sadd.s32 $0x88, s3;
	s6 =	simm.s32 @!p1 $0x1082;
	[sflag:s4] =	ssyncset.s32 $0xFFFFF086  }
0x25: {  	[simem:s6], [sflag:s4] =	dma.local [hbm:s3], $0xF7A  }
0x26: {  	[smem:$0x3F9D] =	sst s1;
	(tag) =	ssettag s2;
	_ =	strace s9  }
0x27: {  	s1 =	sld [smem:$0x3FAD]  }
0x28: {  	s2 =	sld [smem:$0x3FAE]  }
0x29: {  	s4 =	sld [smem:$0x3FB0]  }
0x2a: {  	p0 =	seq.s32 s5, $0x0;
	s5 =	sld [smem:$0x3FB1]  }
0x2b: {  	s6 =	sld [smem:$0x3FB2]  }
0x2c: {  	s7 =	sld [smem:$0x3FB3]  }
0x2d: {  	s3 =	simm.s32 $0x108;
	s8 =	sld [smem:$0x3FB4]  }
0x2e: {  	s3 =	simm.s32 @!p0 $0x1082;
	s9 =	sld [smem:$0x3FB5]  }
0x2f: {  	lr =	sadd.s32 s0, s3;
	s0 =	sld [smem:$0x3FAC]  }
0x30: {  	s3 =	sld [smem:$0x3FAF]  }
0x31: {  	[smem:$0x3FB8] =	sst s10  }
0x32: {  	s10 =	sld [smem:$0x3FB6];
	_ =	sdelay $0x3  }
0x33: {  	p0 =	seq.s32 s10, $0x1;
	s10 =	sld [smem:$0x3FB8];
	_ =	sdelay $0x3  }
0x34: {  	[smem:$0x3FB8] =	sst s10  }
0x35: {  	s10 =	sld [smem:$0x3FB7];
	_ =	sdelay $0x3  }
0x36: {  	p1 =	seq.s32 s10, $0x1;
	s10 =	sld [smem:$0x3FB8];
	_ =	sdelay $0x3  }
0x37: {  	[smem:$0x3FB8] =	sst s10  }
0x38: {  	s10 =	sld [smem:$0x3FB9]  }
0x39: {  	_ = 	snop;
	(pc) =	sbr.ind lr, $3  }
0x3a: {  	_ = 	snop  }
0x3b: {  	_ = 	snop  }
0x3c: {  	p2 =	seq.s32 s10, $0x1;
	s10 =	sld [smem:$0x3FB8]  }
0x3d: {  	_ =	shalt  }
0x3e: {  	_ =	shalt  }
0x3f: {  	_ =	shalt  }
0x40: {  	_ =	shalt  }
0x41: {  	_ =	shalt  }
0x42: {  	_ =	shalt  }
0x43: {  	_ =	shalt  }
0x44: {  	_ =	shalt  }
0x45: {  	_ =	shalt  }
0x46: {  	_ =	shalt  }
0x47: {  	_ =	shalt  }
0x48: {  	_ =	shalt  }
0x49: {  	_ =	shalt  }
0x4a: {  	_ =	shalt  }
0x4b: {  	_ =	shalt  }
0x4c: {  	_ =	shalt  }
0x4d: {  	_ =	shalt  }
0x4e: {  	_ =	shalt  }
0x4f: {  	_ =	shalt  }
0x50: {  	_ =	shalt  }
0x51: {  	_ =	shalt  }
0x52: {  	_ =	shalt  }
0x53: {  	_ =	shalt  }
0x54: {  	_ =	shalt  }
0x55: {  	_ =	shalt  }
0x56: {  	_ =	shalt  }
0x57: {  	_ =	shalt  }
0x58: {  	_ =	shalt  }
0x59: {  	_ =	shalt  }
0x5a: {  	_ =	shalt  }
0x5b: {  	_ =	shalt  }
0x5c: {  	_ =	shalt  }
0x5d: {  	_ =	shalt  }
0x5e: {  	_ =	shalt  }
0x5f: {  	_ =	shalt  }
0x60: {  	_ =	shalt  }
0x61: {  	_ =	shalt  }
0x62: {  	_ =	shalt  }
0x63: {  	_ =	shalt  }
0x64: {  	_ =	shalt  }
0x65: {  	_ =	shalt  }
0x66: {  	_ =	shalt  }
0x67: {  	_ =	shalt  }
0x68: {  	_ =	shalt  }
0x69: {  	_ =	shalt  }
0x6a: {  	_ =	shalt  }
0x6b: {  	_ =	shalt  }
0x6c: {  	_ =	shalt  }
0x6d: {  	_ =	shalt  }
0x6e: {  	_ =	shalt  }
0x6f: {  	_ =	shalt  }
0x70: {  	_ =	shalt  }
0x71: {  	_ =	shalt  }
0x72: {  	_ =	shalt  }
0x73: {  	_ =	shalt  }
0x74: {  	_ =	shalt  }
0x75: {  	_ =	shalt  }
0x76: {  	_ =	shalt  }
0x77: {  	_ =	shalt  }
0x78: {  	_ =	shalt  }
0x79: {  	_ =	shalt  }
0x7a: {  	_ =	shalt  }
0x7b: {  	_ =	shalt  }
0x7c: {  	_ =	shalt  }
0x7d: {  	_ =	shalt  }
0x7e: {  	_ =	shalt  }
0x7f: {  	_ =	shalt  }
0x80: {  	_ =	shalt  }
0x81: {  	_ =	shalt  }
0x82: {  	_ =	shalt  }
0x83: {  	_ =	shalt  }
0x84: {  	_ =	shalt  }
0x85: {  	_ =	shalt  }
0x86: {  	_ =	shalt  }
0x87: {  	_ =	shalt  }
.Lfunc_end0:
.L_simem_size_0:
called_computation_lowered:
.L_overlay_start_0:
0x88: {  	s2 =	sld [smem:$0x3FD9]  }
0x89: {  	s3 =	sld [smem:$0x3FFE];
	_ =	sdelay $0x1  }
0x8a: {  	s1 =	srdreg.scid  }
0x8b: {  	s0 =	sand.u32 $0x1, s1  }
0x8c: {  	s17 =	sshll.u32 s0, $0xA;
	s2 =	sadd.s32 s3, s2  }
0x8d: {  	s2 =	sadd.s32 s2, s17  }
0x8e: {  	[smem:$0x3FC4] =	sst s2  }
0x8f: {  	_ = 	snop  }
0x90: {  	s2 =	sld [smem:$0x3FD0];
	(tm) =	ssettm $0x1  }
0x91: {  	s18 =	sld [smem:$0x3FFB];
	_ =	sdelay $0x3  }
0x92: {  	_ =	strace s18  }
0x93: {  	s3 =	sld [smem:$0x3FFC];
	_ =	sdelay $0x3  }
0x94: {  	_ =	strace s3  }
0x95: {  	s3 =	sld [smem:$0x3FFD];
	_ =	sdelay $0x3  }
0x96: {  	_ =	strace s3  }
0x97: {  	_ =	strace $0x8FFFFFFF  }
0x98: {  	s19 =	sld [smem:$0x3FDB];
	_ =	sdelay $0x1  }
0x99: {  	s4 =	simm.s32 $_scs_section_size  }
0x9a: {  	s5 =	simm.s32 $_size__tile_overlayer_lowered;
	s6 =	simm.s32 $_tile_overlayer_lowered  }
0x9b: {  	s22 =	simm.s32 $0x1BFF;
	s21 =	sshll.u32 s6, $0x1;
	s3 =	sadd.s32 s4, s19  }
0x9c: {  	s7 =	simm.s32 $0x0;
	s20 =	sshll.u32 s5, $0x1;
	s5 =	sadd.s32 s21, s3  }
0x9d: {  	[timem:s7], [sflag:s22] =	dma.local [hbm:s5], s20  }
0x9e: {  	_ =	swait.ge [sflag:s22], s20  }
0x9f: {  	s4 =	ssub.s32 $0x0, s20;
	[sflag:s22] =	ssyncset.done $0x0  }
0xa0: {  	[sflag:s22] =	ssyncadd.s32 s4;
	_ =	sdelay $0x1  }
0xa1: {  	s23 =	simm.s32 $0x1B8B  }
0xa2: {  	_ =	swait.ge [sflag:s23], $0x1  }
0xa3: {  	[sflag:s23] =	ssyncset.done $0x0  }
0xa4: {  	s25 =	simm.s32 $0x1B8E;
	s24 =	sld [smem:$0x3FFE];
	[sflag:s23] =	ssyncadd.s32 $0xFFFFFFFF  }
0xa5: {  	s26 =	simm.s32 $execute0_lowered;
	[smem:$0x3FD2] =	sst s25  }
0xa6: {  	s5 =	sshll.u32 s26, $0x1;
	_ =	strace $0x80000046;
	[dreg:$0x1] =	wrdreg $0xFFFFFFFF  }
0xa7: {  	s28 =	simm.s32 $_size_execute0_lowered;
	s3 =	sadd.s32 s3, s5;
	[dreg:$0x0] =	wrdreg $0x0  }
0xa8: {  	s5 =	sshll.u32 s28, $0x1;
	[dreg:$0x2] =	wrdreg s3  }
0xa9: {  	[dreg:$0x3] =	wrdreg s5  }
0xaa: {  	[dreg:$0x4] =	wrdreg $0xC0  }
0xab: {  	_ =	task [dreg:s7], $0x5FFFF  }
0xac: {  	[dreg:$0x1] =	wrdreg $0xFFFFFFFF  }
0xad: {  	[dreg:$0x0] =	wrdreg $0x60  }
0xae: {  	[dreg:$0x2] =	wrdreg s2  }
0xaf: {  	[dreg:$0x3] =	wrdreg s24  }
0xb0: {  	[dreg:$0x4] =	wrdreg $0x17000  }
0xb1: {  	[dreg:$0x5] =	wrdreg $0x9  }
0xb2: {  	_ =	task.clear_ibuf [dreg:s7], $0x6FFFF;
	_ =	strace $0x90000046  }
0xb3: {  	s29 =	simm.s32 $0x9;
	_ =	strace $0x80000048  }
0xb4: {  	_ =	swait.ge [sflag:s29], $0x1  }
0xb5: {  	[sflag:s29] =	ssyncadd.s32 $0xFFFFFFFF  }
0xb6: {  	_ =	strace $0x90000048  }
0xb7: {  	_ =	sfence  }
0xb8: {  	s30 =	sld [smem:$0x0];
	_ =	sdelay $0x2  }
0xb9: {  	s31 =	sshll.u32 s1, $0xD;
	s1 =	sshrl.u32 s1, $0x2  }
0xba: {  	s3 =	sand.u32 $0x4000, s31;
	s1 =	sadd.s32 s1, s30  }
0xbb: {  	s0 =	sor.u32 s3, s0;
	s1 =	sshll.u32 s1, $0x11  }
0xbc: {  	s0 =	sor.u32 s1, s0  }
0xbd: {  	s0 =	sadd.s32 $0x8F2B, s0  }
0xbe: {  	[sflag:s0] =	ssyncadd.remote.s32 $0x1  }
0xbf: {  	_ =	sfence.sel $0xFFFF  }
0xc0: {  	[dreg:$0x0] =	wrdreg $0xFFFFFFFF;
	(pc) =	sbr.abs _section_cstart, $3  }
0xc1: {  	[dreg:$0x1] =	wrdreg $0xFFFFFFFF  }
0xc2: {  	_ =	task.clear_ibuf [dreg:s7], $0x2FFFF;
	_ =	strace $0x9FFFFFFF  }
0xc3: {  	(tm) =	ssettm $0x7FFFFFFF  }
tec
execute0_lowered:
.L_overlay_start_1:
0x0: {  	(tag) =	ssettag $0x1  }
0x1: {  	s5 =	rddreg [dreg:$0x0]  }
0x2: {  	s7 =	rddreg [dreg:$0x1]  }
0x3: {  	s0 =	srdreg.scid;
	s2 =	rddreg [dreg:$0x2];
	s3 =	simm.s32 $0x0  }
0x4: {  	s11 =	simm.s32 $0x1400;
	s14 =	simm.s32 $0x10;
	s15 =	simm.s32 $0x0  }
0x5: {  	s4 =	sand.u32 $0x1, s0;
	s0 =	stileid.u32;
	[smem:$0x7FF] =	sst s3  }
0x6: {  	s1 =	sshll.u32 s4, $0x4;
	s9 =	sshll.u32 s0, $0x7;
	s30 =	smul.u32 $0xA00, s0  }
0x7: {  	s4 =	ssub.s32 $0x2, s4;
	s12 =	sshll.u32 s0, $0x6;
	s6 =	sor.u32 s0, s1  }
0x8: {  	s9 =	sand.u32 $0x380, s9;
	s1 =	sshrl.u32 s6, $0x3;
	s6 =	smul.u32 $0x280, s6  }
0x9: {  	s10 =	sshrl.u32 s4, $0x1;
	s12 =	sor.u32 $0x1C01, s12;
	s8 =	smul.u32 $0x1400, s1  }
0xa: {  	s31 =	ssub.s32 s4, s10;
	s10 =	simm.s32 $0x80;
	s1 =	rddreg [dreg:$0x3]  }
0xb: {  	_ =	strace $0x80000047;
	s8 =	sor.u32 s9, s8;
	s9 =	sshrl.u32 s30, $0x2  }
0xc: {  	s5 =	sadd.s32 s5, s6;
	s8 =	sshrl.u32 s8, $0x3;
	s4 =	sadd.s32 s9, s2  }
0xd: {  	s9 =	simm.s32 $0x1;
	s7 =	sadd.s32 s8, s7;
	s8 =	simm.s32 $0x1480  }
0xe: {  	v0 =	vimm.f32 $0.0e+00;
	v1 =	vimm.f32 $1.000000000e+00;
	s13 =	sshrl.u32 s4, $0x3;
	s6 =	sadd.s32 $0x6600, s7;
	s7 =	smax.u32 s31, $0x1  }
.LBB2_1:
0xf: {  	[tilespmem:$0x1480] =	vst v0  }
0x10: {  	[tilespmem:$0x1490] =	vst v0  }
0x11: {  	[tilespmem:$0x14A0] =	vst v0  }
0x12: {  	[tilespmem:$0x14B0] =	vst v0  }
0x13: {  	[tilespmem:$0x14C0] =	vst v0  }
0x14: {  	[tilespmem:$0x14D0] =	vst v0  }
0x15: {  	[tilespmem:$0x14E0] =	vst v0  }
0x16: {  	[tilespmem:$0x14F0] =	vst v0  }
0x17: {  	[tilespmem:$0x1500] =	vst v0  }
0x18: {  	[tilespmem:$0x1510] =	vst v0  }
0x19: {  	[tilespmem:$0x1520] =	vst v0  }
0x1a: {  	[tilespmem:$0x1530] =	vst v0  }
0x1b: {  	[tilespmem:$0x1540] =	vst v0  }
0x1c: {  	[tilespmem:$0x1550] =	vst v0  }
0x1d: {  	[tilespmem:$0x1560] =	vst v0  }
0x1e: {  	[tilespmem:$0x1570] =	vst v0  }
0x1f: {  	[tilespmem:$0x1580] =	vst v0  }
0x20: {  	[tilespmem:$0x1590] =	vst v0  }
0x21: {  	[tilespmem:$0x15A0] =	vst v0  }
0x22: {  	[tilespmem:$0x15B0] =	vst v0  }
0x23: {  	[tilespmem:$0x15C0] =	vst v0  }
0x24: {  	[tilespmem:$0x15D0] =	vst v0  }
0x25: {  	[tilespmem:$0x15E0] =	vst v0  }
0x26: {  	[tilespmem:$0x15F0] =	vst v0  }
0x27: {  	[tilespmem:$0x1600] =	vst v0  }
0x28: {  	[tilespmem:$0x1610] =	vst v0  }
0x29: {  	[tilespmem:$0x1620] =	vst v0  }
0x2a: {  	[tilespmem:$0x1630] =	vst v0  }
0x2b: {  	[tilespmem:$0x1640] =	vst v0  }
0x2c: {  	[tilespmem:$0x1650] =	vst v0  }
0x2d: {  	[tilespmem:$0x1660] =	vst v0  }
0x2e: {  	[tilespmem:$0x1670] =	vst v0  }
0x2f: {  	[tilespmem:$0x1680] =	vst v0  }
0x30: {  	[tilespmem:$0x1690] =	vst v0  }
0x31: {  	[tilespmem:$0x16A0] =	vst v0  }
0x32: {  	[tilespmem:$0x16B0] =	vst v0  }
0x33: {  	[tilespmem:$0x16C0] =	vst v0  }
0x34: {  	[tilespmem:$0x16D0] =	vst v0  }
0x35: {  	[tilespmem:$0x16E0] =	vst v0  }
0x36: {  	[tilespmem:$0x16F0] =	vst v0  }
0x37: {  	[tilespmem:$0x1400] =	vst v1  }
0x38: {  	[tilespmem:$0x1410] =	vst v1  }
0x39: {  	[tilespmem:$0x1420] =	vst v1  }
0x3a: {  	[tilespmem:$0x1430] =	vst v1  }
0x3b: {  	[tilespmem:$0x1440] =	vst v1  }
0x3c: {  	[tilespmem:$0x1450] =	vst v1  }
0x3d: {  	[tilespmem:$0x1460] =	vst v1  }
0x3e: {  	[tilespmem:$0x1470] =	vst v1  }
0x3f: {  	[spmem:s4] =	stream.linear.scatter [tilespmem:s8], [sflag:$0x1], $0x280, $0x38;
	[tilespmem:$0x1980] =	vst v63  }
0x40: {  	_ =	swait.ge [sflag:s9], $0x280  }
0x41: {  	[sflag:s9] =	ssyncset.done $0x0  }
0x42: {  	[sflag:s9] =	ssyncadd.s32 $0xFFFFFD80  }
0x43: {  	[tilespmem:s3], [sflag:$0x1] =	stream.linear.gather [hbm4b:s5+s3], $0x1400, $0x38;
	[tilespmem:$0x1980] =	vst v63  }
0x44: {  	_ =	swait.ge [sflag:s9], $0x1400  }
0x45: {  	[sflag:s9] =	ssyncset.done $0x0  }
0x46: {  	[sflag:s9] =	ssyncadd.s32 $0xFFFFEC00  }
0x47: {  	s16 =	simm.s32 $0x0;
	[bflag:$0x0] =	sbarrier.arrive $0xFFFF  }
0x48: {  	[spmem:s2] =	stream.indirect.scatter.add.f32 [tilespmem:s11], [sflag:$0x1], $0x1, s16, s10, $0xb8;
	[tilespmem:$0x1980] =	vst v63  }
0x49: {  	_ =	swait.ge [sflag:s9], $0x80  }
0x4a: {  	s16 =	simm.s32 $0x200;
	[sflag:s9] =	ssyncset.done $0x0  }
.LBB2_2:
0x4b: {  	s17 =	sshra.s32 s16, $0x2;
	[sflag:s9] =	ssyncadd.s32 $0xFFFFFF80;
	p0 =	sne.s32 s16, $0x4E00  }
0x4c: {  	[spmem:s2] =	stream.indirect.scatter.add.f32 [tilespmem:s11], [sflag:$0x1], $0x1, s17, s10, $0xb8;
	[tilespmem:$0x1980] =	vst v63  }
.Ltmp0:
0x4d: {  	_ = 	snop;
	(pc) =	sbr.rel @p0 .LBB2_2-.Ltmp0, $4  }
0x4e: {  	_ = 	snop  }
0x4f: {  	s16 =	sadd.s32 $0x200, s16  }
0x50: {  	_ =	swait.ge [sflag:s9], $0x80  }
0x51: {  	[sflag:s9] =	ssyncset.done $0x0  }
0x52: {  	s15 =	sadd.s32 $0x1, s15  }
0x53: {  	[sflag:s9] =	ssyncadd.s32 $0xFFFFFF80;
	p0 =	sne.s32 s15, s7  }
.Ltmp1:
0x54: {  	[bflag:$0x0] =	sbarrier.arrive $0xFFFF;
	(pc) =	sbr.rel @p0 .LBB2_1-.Ltmp1, $4  }
0x55: {  	[hbm:s6@s10], [sflag:s12] =	dma.strided [spmem:s13@s14], $0x50, s9, $0x10   }
0x56: {  	_ =	swait.ge [sflag:s9], $0x50  }
0x57: {  	[sflag:s9] =	ssyncset.done $0x0  }
0x58: {  	[sflag:s9] =	ssyncadd.s32 $0xFFFFFFB0  }
0x59: {  	_ =	sfence.sel $0x180000  }
0x5a: {  	[bflag:$0x0] =	sbarrier.arrive $0xFFFF  }
0x5b: {  	p0 =	sne.s32 s0, $0x0;
	_ =	strace $0x90000047  }
0x5c: {  	s0 =	sadd.s32 @!p0 $0x100000, s1;
	[bflag:$0x2] =	sbarrier.arrive $0xFFFF  }
0x5d: {  	[sflag:s0] =	ssyncadd.tile.s32 @!p0 $0x1;
	_ =	shalt  }
.Lfunc_end2:
_tile_overlayer_lowered:
.L_overlay_start_2:
0x5e: {  	(tag) =	ssettag $0x2  }
0x5f: {  	s0 =	rddreg [dreg:$0x0];
	s2 =	stileid.u32  }
0x60: {  	s1 =	rddreg [dreg:$0x1];
	p0 =	sne.s32 s2, $0x0  }
0x61: {  	s3 =	rddreg [dreg:$0x2];
	[bflag:$0x3] =	sbarrier.arrive $0xFFFF;
	s2 =	simm.s32 @!p0 $0x1C01  }
0x62: {  	[timem:s3], [sflag:s2] =	dma.local @!p0 [hbm:s0], s1  }
0x63: {  	s0 =	simm.s32 @!p0 $0x1  }
0x64: {  	_ =	swait.ge @!p0 [sflag:s0], s1  }
0x65: {  	s1 =	ssub.s32 @!p0 $0x0, s1;
	[sflag:s0] =	ssyncset.done @!p0 $0x0  }
0x66: {  	[sflag:s0] =	ssyncadd.s32 @!p0 s1  }
0x67: {  	[bflag:$0x3] =	sbarrier.arrive $0xFFFF  }
0x68: {  	_ =	shalt  }

// kernel: kernel.9.cloned.1.call-start
scs
__scs_entry_jumppad:
0x0: {  	(pc) =	sbr.rel $0x88, $3  }
0x1: {  	(tag) =	ssettag $0x0;
	lr =	simm.s32 $0x1  }
0x2: {  	[smem:$0x3F9D] =	sst lr;
	_ =	strace $0xD0000000  }
0x3: {  	_ = 	snop  }
0x4: {  	_ = 	snop  }
0x5: {  	_ = 	snop  }
0x6: {  	_ = 	snop  }
0x7: {  	_ = 	snop  }
__scs_overlays_trampoline_lowered:
0x8: {  	[smem:$0x3FAC] =	sst s0  }
0x9: {  	[smem:$0x3FAD] =	sst s1  }
0xa: {  	[smem:$0x3FAE] =	sst s2  }
0xb: {  	[smem:$0x3FAF] =	sst s3  }
0xc: {  	[smem:$0x3FB0] =	sst s4  }
0xd: {  	[smem:$0x3FB1] =	sst s5  }
0xe: {  	[smem:$0x3FB2] =	sst s6  }
0xf: {  	[smem:$0x3FB3] =	sst s7  }
0x10: {  	[smem:$0x3FB4] =	sst s8  }
0x11: {  	[smem:$0x3FB5] =	sst s9;
	s0 =	simm.s32 @!p0 $0x0  }
0x12: {  	s1 =	sld [smem:$0x3F9B];
	s0 =	simm.s32 @p0 $0x1  }
0x13: {  	[smem:$0x3FB6] =	sst s0;
	s0 =	simm.s32 @!p1 $0x0  }
0x14: {  	s2 =	sld [smem:$0x3F9A];
	s0 =	simm.s32 @p1 $0x1  }
0x15: {  	[smem:$0x3FB7] =	sst s0;
	s0 =	simm.s32 @!p2 $0x0  }
0x16: {  	s3 =	sld [smem:$0x3FDB];
	s0 =	simm.s32 @p2 $0x1  }
0x17: {  	s4 =	simm.s32 $0x1BF5;
	[smem:$0x3FB9] =	sst s0  }
0x18: {  	s0 =	sld [smem:$0x3F9C];
	_ =	swait.ge [sflag:s4], $0x0  }
0x19: {  	s7 =	sld [smem:$0x3F9D]  }
0x1a: {  	s8 =	sadd.s32 $0xFFFFE003, lr  }
0x1b: {  	s9 =	sadd.s32 $0xFFFFFEF7, lr;
	s5 =	simm.s32 $0xFFFFFFFF;
	p2 =	slt.u32 s8, $0xFFFFF086  }
0x1c: {  	p1 =	slt.u32 s9, $0xF7A;
	s5 =	simm.s32 @!p2 $0x0  }
0x1d: {  	s5 =	simm.s32 @p1 $0x1;
	p0 =	seq.s32 s7, s2  }
0x1e: {  	s7 =	smul.u32 @!p0 $0xF7A, s2;
	p2 =	seq.s32 @!p0 s5, $0x0  }
0x1f: {  	s9 =	smul.u32 $0xF7A, s1;
	s8 =	simm.s32 @!p0 $0x1BF5;
	p2 =	por !p2, p0  }
0x20: {  	[sflag:s8] =	ssyncset.s32 @!p0 $0xFFFFF086;
	s6 =	sadd.s32 @!p0 s3, s7;
	s7 =	simm.s32 @!p0 $0x108  }
0x21: {  	s3 =	sadd.s32 s3, s9;
	s6 =	sadd.s32 @!p0 $0x88, s6;
	s7 =	simm.s32 @p2 $0x1082  }
0x22: {  	[simem:s7], [sflag:s8] =	dma.local @!p0 [hbm:s6], $0xF7A  }
0x23: {  	s9 =	sor.u32 $0xD0000000, s2;
	s6 =	simm.s32 $0x108;
	_ =	swait.ge @!p0 [sflag:s8], $0x0  }
0x24: {  	s3 =	sadd.s32 $0x88, s3;
	s6 =	simm.s32 @!p1 $0x1082;
	[sflag:s4] =	ssyncset.s32 $0xFFFFF086  }
0x25: {  	[simem:s6], [sflag:s4] =	dma.local [hbm:s3], $0xF7A  }
0x26: {  	[smem:$0x3F9D] =	sst s1;
	(tag) =	ssettag s2;
	_ =	strace s9  }
0x27: {  	s1 =	sld [smem:$0x3FAD]  }
0x28: {  	s2 =	sld [smem:$0x3FAE]  }
0x29: {  	s4 =	sld [smem:$0x3FB0]  }
0x2a: {  	p0 =	seq.s32 s5, $0x0;
	s5 =	sld [smem:$0x3FB1]  }
0x2b: {  	s6 =	sld [smem:$0x3FB2]  }
0x2c: {  	s7 =	sld [smem:$0x3FB3]  }
0x2d: {  	s3 =	simm.s32 $0x108;
	s8 =	sld [smem:$0x3FB4]  }
0x2e: {  	s3 =	simm.s32 @!p0 $0x1082;
	s9 =	sld [smem:$0x3FB5]  }
0x2f: {  	lr =	sadd.s32 s0, s3;
	s0 =	sld [smem:$0x3FAC]  }
0x30: {  	s3 =	sld [smem:$0x3FAF]  }
0x31: {  	[smem:$0x3FB8] =	sst s10  }
0x32: {  	s10 =	sld [smem:$0x3FB6];
	_ =	sdelay $0x3  }
0x33: {  	p0 =	seq.s32 s10, $0x1;
	s10 =	sld [smem:$0x3FB8];
	_ =	sdelay $0x3  }
0x34: {  	[smem:$0x3FB8] =	sst s10  }
0x35: {  	s10 =	sld [smem:$0x3FB7];
	_ =	sdelay $0x3  }
0x36: {  	p1 =	seq.s32 s10, $0x1;
	s10 =	sld [smem:$0x3FB8];
	_ =	sdelay $0x3  }
0x37: {  	[smem:$0x3FB8] =	sst s10  }
0x38: {  	s10 =	sld [smem:$0x3FB9]  }
0x39: {  	_ = 	snop;
	(pc) =	sbr.ind lr, $3  }
0x3a: {  	_ = 	snop  }
0x3b: {  	_ = 	snop  }
0x3c: {  	p2 =	seq.s32 s10, $0x1;
	s10 =	sld [smem:$0x3FB8]  }
0x3d: {  	_ =	shalt  }
0x3e: {  	_ =	shalt  }
0x3f: {  	_ =	shalt  }
0x40: {  	_ =	shalt  }
0x41: {  	_ =	shalt  }
0x42: {  	_ =	shalt  }
0x43: {  	_ =	shalt  }
0x44: {  	_ =	shalt  }
0x45: {  	_ =	shalt  }
0x46: {  	_ =	shalt  }
0x47: {  	_ =	shalt  }
0x48: {  	_ =	shalt  }
0x49: {  	_ =	shalt  }
0x4a: {  	_ =	shalt  }
0x4b: {  	_ =	shalt  }
0x4c: {  	_ =	shalt  }
0x4d: {  	_ =	shalt  }
0x4e: {  	_ =	shalt  }
0x4f: {  	_ =	shalt  }
0x50: {  	_ =	shalt  }
0x51: {  	_ =	shalt  }
0x52: {  	_ =	shalt  }
0x53: {  	_ =	shalt  }
0x54: {  	_ =	shalt  }
0x55: {  	_ =	shalt  }
0x56: {  	_ =	shalt  }
0x57: {  	_ =	shalt  }
0x58: {  	_ =	shalt  }
0x59: {  	_ =	shalt  }
0x5a: {  	_ =	shalt  }
0x5b: {  	_ =	shalt  }
0x5c: {  	_ =	shalt  }
0x5d: {  	_ =	shalt  }
0x5e: {  	_ =	shalt  }
0x5f: {  	_ =	shalt  }
0x60: {  	_ =	shalt  }
0x61: {  	_ =	shalt  }
0x62: {  	_ =	shalt  }
0x63: {  	_ =	shalt  }
0x64: {  	_ =	shalt  }
0x65: {  	_ =	shalt  }
0x66: {  	_ =	shalt  }
0x67: {  	_ =	shalt  }
0x68: {  	_ =	shalt  }
0x69: {  	_ =	shalt  }
0x6a: {  	_ =	shalt  }
0x6b: {  	_ =	shalt  }
0x6c: {  	_ =	shalt  }
0x6d: {  	_ =	shalt  }
0x6e: {  	_ =	shalt  }
0x6f: {  	_ =	shalt  }
0x70: {  	_ =	shalt  }
0x71: {  	_ =	shalt  }
0x72: {  	_ =	shalt  }
0x73: {  	_ =	shalt  }
0x74: {  	_ =	shalt  }
0x75: {  	_ =	shalt  }
0x76: {  	_ =	shalt  }
0x77: {  	_ =	shalt  }
0x78: {  	_ =	shalt  }
0x79: {  	_ =	shalt  }
0x7a: {  	_ =	shalt  }
0x7b: {  	_ =	shalt  }
0x7c: {  	_ =	shalt  }
0x7d: {  	_ =	shalt  }
0x7e: {  	_ =	shalt  }
0x7f: {  	_ =	shalt  }
0x80: {  	_ =	shalt  }
0x81: {  	_ =	shalt  }
0x82: {  	_ =	shalt  }
0x83: {  	_ =	shalt  }
0x84: {  	_ =	shalt  }
0x85: {  	_ =	shalt  }
0x86: {  	_ =	shalt  }
0x87: {  	_ =	shalt  }
.Lfunc_end0:
.L_simem_size_0:
called_computation.1_lowered:
.L_overlay_start_0:
0x88: {  	s2 =	sld [smem:$0x3FD9]  }
0x89: {  	s3 =	sld [smem:$0x3FFE];
	_ =	sdelay $0x1  }
0x8a: {  	s1 =	srdreg.scid  }
0x8b: {  	s0 =	sand.u32 $0x1, s1  }
0x8c: {  	s17 =	sshll.u32 s0, $0xA;
	s2 =	sadd.s32 s3, s2  }
0x8d: {  	s2 =	sadd.s32 s2, s17  }
0x8e: {  	[smem:$0x3FC4] =	sst s2  }
0x8f: {  	_ = 	snop  }
0x90: {  	s2 =	sld [smem:$0x3FD0];
	(tm) =	ssettm $0x1  }
0x91: {  	s18 =	sld [smem:$0x3FFB];
	_ =	sdelay $0x3  }
0x92: {  	_ =	strace s18  }
0x93: {  	s3 =	sld [smem:$0x3FFC];
	_ =	sdelay $0x3  }
0x94: {  	_ =	strace s3  }
0x95: {  	s3 =	sld [smem:$0x3FFD];
	_ =	sdelay $0x3  }
0x96: {  	_ =	strace s3  }
0x97: {  	_ =	strace $0x8FFFFFFF  }
0x98: {  	s19 =	sld [smem:$0x3FDB];
	_ =	sdelay $0x1  }
0x99: {  	s4 =	simm.s32 $_scs_section_size  }
0x9a: {  	s5 =	simm.s32 $_size__tile_overlayer_lowered;
	s6 =	simm.s32 $_tile_overlayer_lowered  }
0x9b: {  	s22 =	simm.s32 $0x1BFF;
	s21 =	sshll.u32 s6, $0x1;
	s3 =	sadd.s32 s4, s19  }
0x9c: {  	s7 =	simm.s32 $0x0;
	s20 =	sshll.u32 s5, $0x1;
	s5 =	sadd.s32 s21, s3  }
0x9d: {  	[timem:s7], [sflag:s22] =	dma.local [hbm:s5], s20  }
0x9e: {  	_ =	swait.ge [sflag:s22], s20  }
0x9f: {  	s4 =	ssub.s32 $0x0, s20;
	[sflag:s22] =	ssyncset.done $0x0  }
0xa0: {  	[sflag:s22] =	ssyncadd.s32 s4;
	_ =	sdelay $0x1  }
0xa1: {  	s23 =	simm.s32 $0x1B8B  }
0xa2: {  	_ =	swait.ge [sflag:s23], $0x1  }
0xa3: {  	[sflag:s23] =	ssyncset.done $0x0  }
0xa4: {  	s25 =	simm.s32 $0x1B8E;
	s24 =	sld [smem:$0x3FFE];
	[sflag:s23] =	ssyncadd.s32 $0xFFFFFFFF  }
0xa5: {  	s26 =	simm.s32 $execute0_lowered;
	[smem:$0x3FD2] =	sst s25  }
0xa6: {  	s5 =	sshll.u32 s26, $0x1;
	_ =	strace $0x80000049;
	[dreg:$0x1] =	wrdreg $0xFFFFFFFF  }
0xa7: {  	s28 =	simm.s32 $_size_execute0_lowered;
	s3 =	sadd.s32 s3, s5;
	[dreg:$0x0] =	wrdreg $0x0  }
0xa8: {  	s5 =	sshll.u32 s28, $0x1;
	[dreg:$0x2] =	wrdreg s3  }
0xa9: {  	[dreg:$0x3] =	wrdreg s5  }
0xaa: {  	[dreg:$0x4] =	wrdreg $0xC0  }
0xab: {  	_ =	task [dreg:s7], $0x5FFFF  }
0xac: {  	[dreg:$0x1] =	wrdreg $0xFFFFFFFF  }
0xad: {  	[dreg:$0x0] =	wrdreg $0x60  }
0xae: {  	[dreg:$0x2] =	wrdreg s24  }
0xaf: {  	[dreg:$0x3] =	wrdreg s2  }
0xb0: {  	[dreg:$0x4] =	wrdreg $0x88000  }
0xb1: {  	[dreg:$0x5] =	wrdreg $0x9  }
0xb2: {  	_ =	task.clear_ibuf [dreg:s7], $0x6FFFF;
	_ =	strace $0x90000049  }
0xb3: {  	s29 =	simm.s32 $0x9;
	_ =	strace $0x8000004B  }
0xb4: {  	_ =	swait.ge [sflag:s29], $0x1  }
0xb5: {  	[sflag:s29] =	ssyncadd.s32 $0xFFFFFFFF  }
0xb6: {  	_ =	strace $0x9000004B  }
0xb7: {  	_ =	sfence  }
0xb8: {  	s30 =	sld [smem:$0x0];
	_ =	sdelay $0x2  }
0xb9: {  	s31 =	sshll.u32 s1, $0xD;
	s1 =	sshrl.u32 s1, $0x2  }
0xba: {  	s3 =	sand.u32 $0x4000, s31;
	s1 =	sadd.s32 s1, s30  }
0xbb: {  	s0 =	sor.u32 s3, s0;
	s1 =	sshll.u32 s1, $0x11  }
0xbc: {  	s0 =	sor.u32 s1, s0  }
0xbd: {  	s0 =	sadd.s32 $0x8F2B, s0  }
0xbe: {  	[sflag:s0] =	ssyncadd.remote.s32 $0x1  }
0xbf: {  	_ =	sfence.sel $0xFFFF  }
0xc0: {  	[dreg:$0x0] =	wrdreg $0xFFFFFFFF;
	(pc) =	sbr.abs _section_cstart, $3  }
0xc1: {  	[dreg:$0x1] =	wrdreg $0xFFFFFFFF  }
0xc2: {  	_ =	task.clear_ibuf [dreg:s7], $0x2FFFF;
	_ =	strace $0x9FFFFFFF  }
0xc3: {  	(tm) =	ssettm $0x7FFFFFFF  }
tec
execute0_lowered:
.L_overlay_start_1:
0x0: {  	(tag) =	ssettag $0x1  }
0x1: {  	s0 =	rddreg [dreg:$0x0]  }
0x2: {  	s2 =	rddreg [dreg:$0x1]  }
0x3: {  	s1 =	rddreg [dreg:$0x2];
	s4 =	srdreg.scid  }
0x4: {  	s3 =	simm.s32 $0x0;
	s22 =	stileid.u32;
	s13 =	simm.s32 $0x5  }
0x5: {  	s14 =	simm.s32 $0x400;
	s15 =	simm.s32 $0x80;
	s16 =	simm.s32 $0x800  }
0x6: {  	s17 =	simm.s32 $0x4800;
	s18 =	simm.s32 $0x1;
	s19 =	simm.s32 $0x3  }
0x7: {  	s20 =	simm.s32 $0x100;
	s21 =	simm.s32 $0x2;
	s28 =	simm.s32 $0x580  }
0x8: {  	s29 =	simm.s32 $0x280;
	s30 =	simm.s32 $0x600;
	s31 =	simm.s32 $0x300  }
0x9: {  	s7 =	sand.u32 $0x1, s4;
	[smem:$0x7FF] =	sst s3;
	s10 =	smul.u32 $0x4F000, s22  }
0xa: {  	s5 =	sadd.s32 $0x1600, s0;
	s11 =	smul.u32 $0x2780, s22;
	s25 =	sshll.u32 s22, $0x6  }
0xb: {  	s4 =	sshll.u32 s7, $0x4;
	_ =	strace $0x8000004A;
	s9 =	ssub.s32 $0x2, s7  }
0xc: {  	v0 =	vmov s7;
	s7 =	simm.s32 $0x700;
	s6 =	sor.u32 s22, s4;
	s4 =	sadd.s32 $0x7000, s0  }
0xd: {  	s23 =	sshrl.u32 s9, $0x1;
	s24 =	sshrl.u32 s10, $0x2;
	s2 =	sadd.s32 s2, s11  }
0xe: {  	s11 =	sor.u32 $0x1C05, s25;
	s25 =	simm.s32 $0x500;
	s10 =	simm.s32 $0x780  }
0xf: {  	s8 =	smul.u32 $0x2780, s6;
	s6 =	sadd.s32 $0x5A200, s0;
	s12 =	sadd.s32 s24, s1  }
0x10: {  	[dreg:$0x4] =	wrdreg s2;
	s24 =	simm.s32 $0x180;
	s2 =	simm.s32 $0x380  }
0x11: {  	[dreg:$0x5] =	wrdreg s11;
	s0 =	sadd.s32 s8, s0;
	s8 =	ssub.s32 s9, s23  }
0x12: {  	s9 =	smul.u32 $0xA, s22;
	s22 =	simm.s32 $0x480;
	s0 =	sadd.s32 $0xA8400, s0  }
0x13: {  	s23 =	simm.s32 $0x4;
	s26 =	smax.u32 s8, $0x1;
	[dreg:$0x6] =	wrdreg s0  }
0x14: {  	s8 =	sshrl.u32 s12, $0x3;
	s12 =	simm.s32 $0x0;
	[dreg:$0x7] =	wrdreg s26  }
0x15: {  	s26 =	simm.s32 $0x200;
	s0 =	simm.s32 $0x680;
	[dreg:$0x8] =	wrdreg s8  }
.LBB2_1:
0x16: {  	[dreg:$0x9] =	wrdreg s12  }
0x17: {  	s3 =	rddreg [dreg:$0x4]  }
0x18: {  	[spmem:s8], [sflag:s11] =	dma.local [hbm:s3], $0x2780  }
0x19: {  	_ =	swait.ge [sflag:s13], $0x2780  }
0x1a: {  	[sflag:s13] =	ssyncset.done $0x0  }
0x1b: {  	[sflag:s13] =	ssyncadd.s32 $0xFFFFD880  }
0x1c: {  	s8 =	simm.s32 $0x0;
	[bflag:$0x0] =	sbarrier.arrive $0xFFFF  }
.LBB2_2:
0x1d: {  	s11 =	sadd.s32 s9, s8  }
0x1e: {  	s11 =	sshll.u32 s11, $0x7  }
0x1f: {  	s3 =	simm.s32 $0x0;
	s12 =	sadd.s32 s4, s11  }
0x20: {  	[tilespmem:s3], [sflag:$0x5] =	stream.linear.gather [hbm4b:s12+s3], $0x400, $0x38;
	[tilespmem:$0x1C400] =	vst v63  }
0x21: {  	_ =	swait.ge [sflag:s13], $0x400  }
0x22: {  	[sflag:s13] =	ssyncset.done $0x0  }
0x23: {  	s11 =	sadd.s32 s5, s11;
	[sflag:s13] =	ssyncadd.s32 $0xFFFFFC00  }
0x24: {  	[tilespmem:s14], [sflag:$0x5] =	stream.linear.gather [hbm4b:s11+s3], $0x400, $0x38;
	[tilespmem:$0x1C400] =	vst v63  }
0x25: {  	_ =	swait.ge [sflag:s13], $0x400  }
0x26: {  	[sflag:s13] =	ssyncset.done $0x0  }
0x27: {  	s12 =	simm.s32 $0x0;
	[sflag:s13] =	ssyncadd.s32 $0xFFFFFC00  }
0x28: {  	v2 =	vld [tilespmem:s12+$0x0]  }
0x29: {  	v3 =	vld [tilespmem:s12+$0x10]  }
0x2a: {  	v5 =	vld [tilespmem:s12+$0x20]  }
0x2b: {  	v4 =	vld [tilespmem:s12+$0x30]  }
0x2c: {  	v1 =	vld [tilespmem:s12+$0x40]  }
0x2d: {  	v6 =	vshll.u32 v2, $0x1;
	v2 =	vld [tilespmem:s12+$0x50]  }
0x2e: {  	s11 =	simm.s32 $0x200;
	v7 =	vshll.u32 v3, $0x1;
	v3 =	vld [tilespmem:s12+$0x60];
	v6 =	vor.u32 v0, v6  }
.LBB2_3:
0x2f: {  	s3 =	sshra.s32 s11, $0x2;
	p0 =	sne.s32 s11, $0xE00;
	[tilespmem:s12+$0x0] =	vst v6;
	v6 =	vor.u32 v0, v7;
	v5 =	vshll.u32 v5, $0x1;
	v7 =	vld [tilespmem:s12+$0x70]  }
0x30: {  	v8 =	vld [tilespmem:s3+$0x0];
	[tilespmem:s12+$0x10] =	vst v6;
	v5 =	vor.u32 v0, v5;
	v4 =	vshll.u32 v4, $0x1  }
0x31: {  	v9 =	vld [tilespmem:s3+$0x10];
	[tilespmem:s12+$0x20] =	vst v5;
	v4 =	vor.u32 v0, v4;
	v1 =	vshll.u32 v1, $0x1  }
.Ltmp0:
0x32: {  	v5 =	vld [tilespmem:s3+$0x20];
	[tilespmem:s12+$0x30] =	vst v4;
	v1 =	vor.u32 v0, v1;
	v2 =	vshll.u32 v2, $0x1;
	(pc) =	sbr.rel @p0 .LBB2_3-.Ltmp0, $4  }
0x33: {  	v4 =	vld [tilespmem:s3+$0x30];
	[tilespmem:s12+$0x40] =	vst v1;
	v2 =	vor.u32 v0, v2;
	v3 =	vshll.u32 v3, $0x1  }
0x34: {  	v1 =	vld [tilespmem:s3+$0x40];
	[tilespmem:s12+$0x50] =	vst v2;
	v3 =	vor.u32 v0, v3;
	v6 =	vshll.u32 v7, $0x1  }
0x35: {  	v7 =	vshll.u32 v8, $0x1;
	v2 =	vld [tilespmem:s3+$0x50];
	[tilespmem:s12+$0x60] =	vst v3;
	v8 =	vor.u32 v0, v6  }
0x36: {  	s11 =	sadd.s32 $0x200, s11;
	v6 =	vor.u32 v0, v7;
	v7 =	vshll.u32 v9, $0x1;
	v3 =	vld [tilespmem:s3+$0x60];
	[tilespmem:s12+$0x70] =	vst v8;
	s12 =	smov.u32 s3  }
0x37: {  	[tilespmem:s12+$0x0] =	vst v6;
	v62 =	vor.u32 v0, v7;
	v5 =	vshll.u32 v5, $0x1;
	v63 =	vld [tilespmem:s12+$0x70]  }
0x38: {  	[tilespmem:s12+$0x10] =	vst v62;
	v5 =	vor.u32 v0, v5;
	v4 =	vshll.u32 v4, $0x1  }
0x39: {  	[tilespmem:s12+$0x20] =	vst v5;
	v4 =	vor.u32 v0, v4;
	v1 =	vshll.u32 v1, $0x1  }
0x3a: {  	[tilespmem:s12+$0x30] =	vst v4;
	v1 =	vor.u32 v0, v1;
	v2 =	vshll.u32 v2, $0x1  }
0x3b: {  	[tilespmem:s12+$0x40] =	vst v1;
	v1 =	vor.u32 v0, v2;
	v2 =	vshll.u32 v3, $0x1  }
0x3c: {  	[tilespmem:s12+$0x50] =	vst v1;
	v1 =	vor.u32 v0, v2;
	v2 =	vshll.u32 v63, $0x1  }
0x3d: {  	[tilespmem:s12+$0x60] =	vst v1;
	v1 =	vor.u32 v0, v2  }
0x3e: {  	s3 =	simm.s32 $0x0;
	[tilespmem:s12+$0x70] =	vst v1  }
0x3f: {  	[tilespmem:s16], [sflag:$0x1] =	stream.indirect.gather [hbm4b:s6+s15], $0x80, s3, s15, $0xb8;
	[tilespmem:$0x1C400] =	vst v63  }
0x40: {  	_ = 	snop  }
0x41: {  	[tilespmem:s17], [sflag:$0x2] =	stream.indirect.gather [hbm4b:s6+s15], $0x80, s15, s15, $0xb8;
	[tilespmem:$0x1C400] =	vst v63  }
0x42: {  	_ =	swait.ge [sflag:s18], $0x4000  }
0x43: {  	[sflag:s18] =	ssyncset.done $0x0  }
0x44: {  	[sflag:s18] =	ssyncadd.s32 $0xFFFFC000  }
0x45: {  	[spmem:s1] =	stream.indirect.scatter.add.f32 [tilespmem:s16], [sflag:$0x3], $0x80, s14, s15, $0xb8;
	[tilespmem:$0x1C400] =	vst v63  }
0x46: {  	_ =	swait.ge [sflag:s19], $0x4000  }
0x47: {  	[sflag:s19] =	ssyncset.done $0x0  }
0x48: {  	[sflag:s19] =	ssyncadd.s32 $0xFFFFC000  }
0x49: {  	[tilespmem:s16], [sflag:$0x1] =	stream.indirect.gather [hbm4b:s6+s15], $0x80, s20, s15, $0xb8;
	[tilespmem:$0x1C400] =	vst v63  }
0x4a: {  	_ =	swait.ge [sflag:s21], $0x4000  }
0x4b: {  	[sflag:s21] =	ssyncset.done $0x0  }
0x4c: {  	[sflag:s21] =	ssyncadd.s32 $0xFFFFC000  }
0x4d: {  	[spmem:s1] =	stream.indirect.scatter.add.f32 [tilespmem:s17], [sflag:$0x4], $0x80, s22, s15, $0xb8;
	[tilespmem:$0x1C400] =	vst v63  }
0x4e: {  	_ =	swait.ge [sflag:s23], $0x4000  }
0x4f: {  	[sflag:s23] =	ssyncset.done $0x0  }
0x50: {  	[sflag:s23] =	ssyncadd.s32 $0xFFFFC000  }
0x51: {  	[tilespmem:s17], [sflag:$0x2] =	stream.indirect.gather [hbm4b:s6+s15], $0x80, s24, s15, $0xb8;
	[tilespmem:$0x1C400] =	vst v63  }
0x52: {  	_ =	swait.ge [sflag:s18], $0x4000  }
0x53: {  	[sflag:s18] =	ssyncset.done $0x0  }
0x54: {  	[sflag:s18] =	ssyncadd.s32 $0xFFFFC000  }
0x55: {  	[spmem:s1] =	stream.indirect.scatter.add.f32 [tilespmem:s16], [sflag:$0x3], $0x80, s25, s15, $0xb8;
	[tilespmem:$0x1C400] =	vst v63  }
0x56: {  	_ =	swait.ge [sflag:s19], $0x4000  }
0x57: {  	[sflag:s19] =	ssyncset.done $0x0  }
0x58: {  	[sflag:s19] =	ssyncadd.s32 $0xFFFFC000  }
0x59: {  	[tilespmem:s16], [sflag:$0x1] =	stream.indirect.gather [hbm4b:s6+s15], $0x80, s26, s15, $0xb8;
	[tilespmem:$0x1C400] =	vst v63  }
0x5a: {  	_ =	swait.ge [sflag:s21], $0x4000  }
0x5b: {  	[sflag:s21] =	ssyncset.done $0x0  }
0x5c: {  	[sflag:s21] =	ssyncadd.s32 $0xFFFFC000  }
0x5d: {  	[spmem:s1] =	stream.indirect.scatter.add.f32 [tilespmem:s17], [sflag:$0x4], $0x80, s28, s15, $0xb8;
	[tilespmem:$0x1C400] =	vst v63  }
0x5e: {  	_ =	swait.ge [sflag:s23], $0x4000  }
0x5f: {  	[sflag:s23] =	ssyncset.done $0x0  }
0x60: {  	[sflag:s23] =	ssyncadd.s32 $0xFFFFC000  }
0x61: {  	[tilespmem:s17], [sflag:$0x2] =	stream.indirect.gather [hbm4b:s6+s15], $0x80, s29, s15, $0xb8;
	[tilespmem:$0x1C400] =	vst v63  }
0x62: {  	_ =	swait.ge [sflag:s18], $0x4000  }
0x63: {  	[sflag:s18] =	ssyncset.done $0x0  }
0x64: {  	[sflag:s18] =	ssyncadd.s32 $0xFFFFC000  }
0x65: {  	[spmem:s1] =	stream.indirect.scatter.add.f32 [tilespmem:s16], [sflag:$0x3], $0x80, s30, s15, $0xb8;
	[tilespmem:$0x1C400] =	vst v63  }
0x66: {  	_ =	swait.ge [sflag:s19], $0x4000  }
0x67: {  	[sflag:s19] =	ssyncset.done $0x0  }
0x68: {  	[sflag:s19] =	ssyncadd.s32 $0xFFFFC000  }
0x69: {  	[tilespmem:s16], [sflag:$0x1] =	stream.indirect.gather [hbm4b:s6+s15], $0x80, s31, s15, $0xb8;
	[tilespmem:$0x1C400] =	vst v63  }
0x6a: {  	_ =	swait.ge [sflag:s21], $0x4000  }
0x6b: {  	[sflag:s21] =	ssyncset.done $0x0  }
0x6c: {  	[sflag:s21] =	ssyncadd.s32 $0xFFFFC000  }
0x6d: {  	[spmem:s1] =	stream.indirect.scatter.add.f32 [tilespmem:s17], [sflag:$0x4], $0x80, s0, s15, $0xb8;
	[tilespmem:$0x1C400] =	vst v63  }
0x6e: {  	_ =	swait.ge [sflag:s23], $0x4000  }
0x6f: {  	[sflag:s23] =	ssyncset.done $0x0  }
0x70: {  	[sflag:s23] =	ssyncadd.s32 $0xFFFFC000  }
0x71: {  	[tilespmem:s17], [sflag:$0x2] =	stream.indirect.gather [hbm4b:s6+s15], $0x80, s2, s15, $0xb8;
	[tilespmem:$0x1C400] =	vst v63  }
0x72: {  	_ =	swait.ge [sflag:s18], $0x4000  }
0x73: {  	[sflag:s18] =	ssyncset.done $0x0  }
0x74: {  	[sflag:s18] =	ssyncadd.s32 $0xFFFFC000  }
0x75: {  	[spmem:s1] =	stream.indirect.scatter.add.f32 [tilespmem:s16], [sflag:$0x3], $0x80, s7, s15, $0xb8;
	[tilespmem:$0x1C400] =	vst v63  }
0x76: {  	_ =	swait.ge [sflag:s21], $0x4000  }
0x77: {  	[sflag:s21] =	ssyncset.done $0x0  }
0x78: {  	s8 =	sadd.s32 $0x1, s8;
	[sflag:s21] =	ssyncadd.s32 $0xFFFFC000  }
0x79: {  	[spmem:s1] =	stream.indirect.scatter.add.f32 [tilespmem:s17], [sflag:$0x4], $0x80, s10, s15, $0xb8;
	[tilespmem:$0x1C400] =	vst v63  }
0x7a: {  	p0 =	sne.s32 s8, $0xA;
	_ =	swait.ge [sflag:s19], $0x4000  }
.Ltmp1:
0x7b: {  	[sflag:s19] =	ssyncset.done $0x0;
	(pc) =	sbr.rel @p0 .LBB2_2-.Ltmp1, $4  }
0x7c: {  	[sflag:s19] =	ssyncadd.s32 $0xFFFFC000  }
0x7d: {  	_ =	swait.ge [sflag:s23], $0x4000  }
0x7e: {  	[sflag:s23] =	ssyncset.done $0x0  }
0x7f: {  	[sflag:s23] =	ssyncadd.s32 $0xFFFFC000  }
0x80: {  	[bflag:$0x0] =	sbarrier.arrive $0xFFFF  }
0x81: {  	s11 =	rddreg [dreg:$0x5]  }
0x82: {  	s3 =	rddreg [dreg:$0x6]  }
0x83: {  	s8 =	rddreg [dreg:$0x8]  }
0x84: {  	[hbm:s3], [sflag:s11] =	dma.local [spmem:s8], $0x2780  }
0x85: {  	_ =	swait.ge [sflag:s13], $0x2780  }
0x86: {  	s12 =	rddreg [dreg:$0x9]  }
0x87: {  	s3 =	rddreg [dreg:$0x7];
	s12 =	sadd.s32 $0x1, s12  }
0x88: {  	p0 =	sne.s32 s12, s3  }
.Ltmp2:
0x89: {  	_ = 	snop;
	(pc) =	sbr.rel @p0 .LBB2_1-.Ltmp2, $3  }
0x8a: {  	_ =	sdelay $0x1  }
0x8b: {  	[sflag:s13] =	ssyncset.done $0x0  }
0x8c: {  	[sflag:s13] =	ssyncadd.s32 $0xFFFFD880  }
0x8d: {  	_ =	sfence.sel $0x180000  }
0x8e: {  	[bflag:$0x0] =	sbarrier.arrive $0xFFFF  }
0x8f: {  	_ =	strace $0x9000004A  }
0x90: {  	s0 =	stileid.u32;
	[bflag:$0x2] =	sbarrier.arrive $0xFFFF  }
0x91: {  	p0 =	sne.s32 s0, $0x0;
	s0 =	rddreg [dreg:$0x3]  }
0x92: {  	s0 =	sadd.s32 @!p0 $0x100000, s0  }
0x93: {  	[sflag:s0] =	ssyncadd.tile.s32 @!p0 $0x1;
	_ =	shalt  }
.Lfunc_end2:
_tile_overlayer_lowered:
.L_overlay_start_2:
0x94: {  	(tag) =	ssettag $0x2  }
0x95: {  	s0 =	rddreg [dreg:$0x0];
	s2 =	stileid.u32  }
0x96: {  	s1 =	rddreg [dreg:$0x1];
	p0 =	sne.s32 s2, $0x0  }
0x97: {  	s3 =	rddreg [dreg:$0x2];
	[bflag:$0x3] =	sbarrier.arrive $0xFFFF;
	s2 =	simm.s32 @!p0 $0x1C05  }
0x98: {  	[timem:s3], [sflag:s2] =	dma.local @!p0 [hbm:s0], s1  }
0x99: {  	s0 =	simm.s32 @!p0 $0x5  }
0x9a: {  	_ =	swait.ge @!p0 [sflag:s0], s1  }
0x9b: {  	s1 =	ssub.s32 @!p0 $0x0, s1;
	[sflag:s0] =	ssyncset.done @!p0 $0x0  }
0x9c: {  	[sflag:s0] =	ssyncadd.s32 @!p0 s1  }
0x9d: {  	[bflag:$0x3] =	sbarrier.arrive $0xFFFF  }
0x9e: {  	_ =	shalt  }

</sc_bundles>
